<compile_context>
chip_gen: v7x
topology: tpu7x:2x2x1
jax: 0.10.2.dev20260603
libtpu: 0.0.44.dev20260713+nightly
codegen_flags: <defaults>
</compile_context>

<pallas_src>
import functools

import jax
import jax.numpy as jnp
from jax import lax
from jax.experimental import pallas as pl
from jax.experimental.pallas import tpu as pltpu
from jax.experimental.pallas import tpu_sc as plsc

N = 10000
H = 256
G = 64
N_PAD = 10112
RPT = 632
CH_ES = 79
CH_FS = 79
NCH = 2
E_PAD = 16 * NCH * CH_FS * 128

_MESH = dict(core_axis_name="c", subcore_axis_name="s",
             num_cores=2, num_subcores=16)


@functools.partial(
    pl.kernel,
    out_type=jax.ShapeDtypeStruct((2 * N_PAD, 128), jnp.float32),
    mesh=plsc.VectorSubcoreMesh(**_MESH),
    scratch_types=[
        pltpu.VMEM((CH_ES, 128), jnp.int32),
        pltpu.VMEM((128, 128), jnp.float32),
        pltpu.VMEM_SHARED((N_PAD, 128), jnp.float32),
    ],
)
def _deg(ones_hbm, dst_hbm, z_hbm, out_hbm, dst_v, buf, acc):
    c = lax.axis_index("c")
    s = lax.axis_index("s")
    pltpu.sync_copy(ones_hbm, buf)
    r0 = s * RPT
    pltpu.sync_copy(z_hbm, acc.at[pl.ds(r0, RPT)])
    plsc.subcore_barrier()
    pltpu.sync_copy(dst_hbm.at[c, s], dst_v)

    def body(j, carry):
        pltpu.sync_copy(buf, acc.at[dst_v.at[j]], add=True)
        return carry

    lax.fori_loop(0, CH_ES, body, 0)
    plsc.subcore_barrier()
    pltpu.sync_copy(acc.at[pl.ds(r0, RPT)],
                    out_hbm.at[pl.ds(c * N_PAD + r0, RPT)])


@functools.partial(
    pl.kernel,
    out_type=jax.ShapeDtypeStruct((2 * N_PAD, 128), jnp.float32),
    mesh=plsc.VectorSubcoreMesh(**_MESH),
    scratch_types=[
        pltpu.VMEM((CH_ES, 128), jnp.int32),
        pltpu.VMEM((CH_ES, 128), jnp.int32),
        pltpu.VMEM((128, 128), jnp.float32),
        pltpu.VMEM_SHARED((N_PAD, 128), jnp.float32),
        pltpu.SemaphoreType.DMA,
    ],
)
def _spmm_es(g_hbm, src_hbm, dst_hbm, z_hbm, out_hbm,
             src_v, dst_v, buf, acc, sem):
    c = lax.axis_index("c")
    s = lax.axis_index("s")
    r0 = s * RPT

    @pl.when(c == 0)
    def _():
        pltpu.sync_copy(g_hbm.at[pl.ds(r0, RPT)], acc.at[pl.ds(r0, RPT)])

    @pl.when(c == 1)
    def _():
        pltpu.sync_copy(z_hbm, acc.at[pl.ds(r0, RPT)])

    pltpu.sync_copy(src_hbm.at[c, s, c], src_v)
    pltpu.sync_copy(dst_hbm.at[s, c], dst_v)
    plsc.subcore_barrier()

    def body(b, carry):
        pltpu.async_copy(g_hbm.at[src_v.at[b]], buf, sem).wait()
        pltpu.sync_copy(buf, acc.at[dst_v.at[b]], add=True)
        return carry

    lax.fori_loop(0, CH_ES, body, 0)
    plsc.subcore_barrier()
    pltpu.sync_copy(acc.at[pl.ds(r0, RPT)],
                    out_hbm.at[pl.ds(c * N_PAD + r0, RPT)])


@functools.partial(
    pl.kernel,
    out_type=jax.ShapeDtypeStruct((2 * N_PAD, 128), jnp.float32),
    mesh=plsc.VectorSubcoreMesh(**_MESH),
    scratch_types=[
        pltpu.VMEM((CH_FS, 128), jnp.int32),
        pltpu.VMEM((CH_FS, 128), jnp.int32),
        pltpu.VMEM((128, 128), jnp.float32),
        pltpu.VMEM_SHARED((N_PAD, 128), jnp.float32),
        pltpu.SemaphoreType.DMA,
    ],
)
def _spmm_fs(g_hbm, src_hbm, dst_hbm, out_hbm, src_v, dst_v, buf, acc, sem):
    c = lax.axis_index("c")
    s = lax.axis_index("s")
    r0 = s * RPT
    pltpu.sync_copy(g_hbm.at[pl.ds(c * N_PAD + r0, RPT)],
                    acc.at[pl.ds(r0, RPT)])
    plsc.subcore_barrier()

    def chunk(k, carry):
        pltpu.sync_copy(src_hbm.at[c, s, k], src_v)
        pltpu.sync_copy(dst_hbm.at[s, k], dst_v)

        def body(b, carry2):
            pltpu.async_copy(g_hbm.at[src_v.at[b]], buf, sem).wait()
            pltpu.sync_copy(buf, acc.at[dst_v.at[b]], add=True)
            return carry2

        lax.fori_loop(0, CH_FS, body, 0)
        return carry

    lax.fori_loop(0, NCH, chunk, 0)
    plsc.subcore_barrier()
    pltpu.sync_copy(acc.at[pl.ds(r0, RPT)],
                    out_hbm.at[pl.ds(c * N_PAD + r0, RPT)])


def _scale_kernel(d0_ref, d1_ref, x_ref, g_ref, dis_ref):
    deg = d0_ref[:, 0:1] + d1_ref[:, 0:1] + 1.0
    dis = lax.rsqrt(deg)
    g_ref[...] = dis * x_ref[...]
    dis_ref[...] = jnp.broadcast_to(dis, (RPT, 8))


def _tc_scale(degp, x_pad):
    return pl.pallas_call(
        _scale_kernel,
        grid=(32,),
        in_specs=[
            pl.BlockSpec((RPT, 128), lambda i: (i % 16, 0)),
            pl.BlockSpec((RPT, 128), lambda i: (16 + i % 16, 0)),
            pl.BlockSpec((RPT, 128), lambda i: (i % 16, 0)),
        ],
        out_specs=[
            pl.BlockSpec((RPT, 128), lambda i: (i, 0)),
            pl.BlockSpec((RPT, 8), lambda i: (i % 16, 0)),
        ],
        out_shape=[
            jax.ShapeDtypeStruct((2 * N_PAD, 128), jnp.float32),
            jax.ShapeDtypeStruct((N_PAD, 8), jnp.float32),
        ],
    )(degp, degp, x_pad)


def _layer_es_kernel(dis_ref, s0_ref, s1_ref, w_ref, b_ref, o_ref):
    c = pl.program_id(0) // 16
    dis = dis_ref[:, 0:1]
    h = dis * (s0_ref[...] + s1_ref[...])
    h = jnp.dot(h, w_ref[...], preferred_element_type=jnp.float32) + b_ref[...]
    h = jnp.maximum(h, 0.0)
    g = dis * h
    o_ref[...] = jnp.where(c == 0, g[:, :128], g[:, 128:])


def _layer_fs_kernel(dis_ref, s0_ref, s1_ref, w_ref, b_ref, o_ref):
    c = pl.program_id(0) // 16
    dis = dis_ref[:, 0:1]
    h = dis * jnp.concatenate([s0_ref[...], s1_ref[...]], axis=1)
    h = jnp.dot(h, w_ref[...], preferred_element_type=jnp.float32) + b_ref[...]
    h = jnp.maximum(h, 0.0)
    g = dis * h
    o_ref[...] = jnp.where(c == 0, g[:, :128], g[:, 128:])


def _tc_layer(body_fn, dis8, s_flat, W, b):
    return pl.pallas_call(
        body_fn,
        grid=(32,),
        in_specs=[
            pl.BlockSpec((RPT, 8), lambda i: (i % 16, 0)),
            pl.BlockSpec((RPT, 128), lambda i: (i % 16, 0)),
            pl.BlockSpec((RPT, 128), lambda i: (16 + i % 16, 0)),
            pl.BlockSpec(W.shape, lambda i: (0, 0)),
            pl.BlockSpec((1, H), lambda i: (0, 0)),
        ],
        out_specs=pl.BlockSpec((RPT, 128), lambda i: (i, 0)),
        out_shape=jax.ShapeDtypeStruct((2 * N_PAD, 128), jnp.float32),
    )(dis8, s_flat, s_flat, W, b)


def _final_kernel(dis_ref, s0_ref, s1_ref, w_ref, b_ref, batch_ref,
                  wc_ref, bc_ref, o_ref, sums_ref, cnts_ref):
    i = pl.program_id(0)
    dis = dis_ref[:, 0:1]
    h = dis * jnp.concatenate([s0_ref[...], s1_ref[...]], axis=1)
    h = jnp.dot(h, w_ref[...], preferred_element_type=jnp.float32) + b_ref[...]

    gids = lax.broadcasted_iota(jnp.int32, (G, RPT), 0)
    onehot = (gids == batch_ref[0]).astype(jnp.float32)

    @pl.when(i == 0)
    def _():
        sums_ref[...] = jnp.zeros_like(sums_ref)
        cnts_ref[...] = jnp.zeros_like(cnts_ref)

    sums_ref[...] += jnp.dot(onehot, h, preferred_element_type=jnp.float32)
    cnts_ref[...] += jnp.sum(onehot, axis=1, keepdims=True)

    @pl.when(i == 15)
    def _():
        pooled = sums_ref[...] / jnp.maximum(cnts_ref[...], 1.0)
        o_ref[...] = (jnp.dot(pooled, wc_ref[...],
                              preferred_element_type=jnp.float32)
                      + bc_ref[...])


def _tc_final(dis8, s_flat, W3, b3, batch3, Wc, bc):
    return pl.pallas_call(
        _final_kernel,
        grid=(16,),
        in_specs=[
            pl.BlockSpec((RPT, 8), lambda i: (i, 0)),
            pl.BlockSpec((RPT, 128), lambda i: (i, 0)),
            pl.BlockSpec((RPT, 128), lambda i: (16 + i, 0)),
            pl.BlockSpec((H, H), lambda i: (0, 0)),
            pl.BlockSpec((1, H), lambda i: (0, 0)),
            pl.BlockSpec((1, 1, RPT), lambda i: (i, 0, 0)),
            pl.BlockSpec((H, 10), lambda i: (0, 0)),
            pl.BlockSpec((1, 10), lambda i: (0, 0)),
        ],
        out_specs=pl.BlockSpec((G, 10), lambda i: (0, 0)),
        out_shape=jax.ShapeDtypeStruct((G, 10), jnp.float32),
        scratch_shapes=[
            pltpu.VMEM((G, H), jnp.float32),
            pltpu.VMEM((G, 1), jnp.float32),
        ],
    )(dis8, s_flat, s_flat, W3, b3, batch3, Wc, bc)


def kernel(x, edge_index, batch, W1, b1, W2, b2, W3, b3, Wc, bc):
    src = edge_index[0].astype(jnp.int32)
    dst = edge_index[1].astype(jnp.int32)
    npad = E_PAD - src.shape[0]
    src = jnp.pad(src, (0, npad))
    dst = jnp.concatenate(
        [dst, N + (jnp.arange(npad, dtype=jnp.int32) % (N_PAD - N))])

    dst_es = dst.reshape(2, 16, CH_ES, 128)
    src_fs = jnp.stack([src, src + N_PAD]).reshape(2, 16, NCH, CH_FS, 128)
    dst_fs = dst.reshape(16, NCH, CH_FS, 128)

    x_pad = jnp.pad(x, ((0, N_PAD - N), (0, 0)))
    batch3 = jnp.pad(batch.astype(jnp.int32), (0, N_PAD - N),
                     constant_values=G).reshape(16, 1, RPT)
    ones128 = jnp.ones((128, 128), jnp.float32)
    zeros_rp = jnp.zeros((RPT, 128), jnp.float32)

    degp = _deg(ones128, dst_es, zeros_rp)
    g1, dis8 = _tc_scale(degp, x_pad)
    s1 = _spmm_es(g1, src_fs, dst_fs, zeros_rp)
    g2 = _tc_layer(_layer_es_kernel, dis8, s1, W1, b1[None, :])
    s2 = _spmm_fs(g2, src_fs, dst_fs)
    g3 = _tc_layer(_layer_fs_kernel, dis8, s2, W2, b2[None, :])
    s3 = _spmm_fs(g3, src_fs, dst_fs)
    return _tc_final(dis8, s3, W3, b3[None, :], batch3, Wc, bc[None, :])

# --- scband reference (transcript-rebuilt; emitter-appended) ---
"""Pipeline reference for scband-gcn-33165737460172 (READ-ONLY COPY).

The authoritative reference and input builder live on the scoring server;
editing this copy changes nothing except your own understanding.
"""

import jax, jax.numpy as jnp
import numpy as np

N = 10000
E = 320000
F = 128
H = 256
C = 10
G = 64

def setup_inputs(seed: int = 0) -> dict:
    key = jax.random.key(seed)
    ks = jax.random.split(key, 12)
    x = jax.random.normal(ks[0], (N, F), dtype=jnp.float32)
    edge_index = jax.random.randint(ks[1], (2, E), 0, N, dtype=jnp.int64)
    batch = jnp.sort(jax.random.randint(ks[2], (N,), 0, G, dtype=jnp.int64))
    def glorot(k, fan_in, fan_out):
        s = jnp.sqrt(6.0 / (fan_in + fan_out))
        return jax.random.uniform(k, (fan_in, fan_out), dtype=jnp.float32, minval=-s, maxval=s)
    W1 = glorot(ks[3], F, H); b1 = jnp.zeros((H,), jnp.float32)
    W2 = glorot(ks[4], H, H); b2 = jnp.zeros((H,), jnp.float32)
    W3 = glorot(ks[5], H, H); b3 = jnp.zeros((H,), jnp.float32)
    Wc = glorot(ks[6], H, C); bc = jnp.zeros((C,), jnp.float32)
    return {"x": x, "edge_index": edge_index, "batch": batch,
            "W1": W1, "b1": b1, "W2": W2, "b2": b2, "W3": W3, "b3": b3,
            "Wc": Wc, "bc": bc}

def _gcn_conv(x, src, dst, norm, W, b, num_nodes):
    h = x @ W
    msg = h[src] * norm[:, None]
    out = jax.ops.segment_sum(msg, dst, num_segments=num_nodes)
    return out + b

def reference(x, edge_index, batch, W1, b1, W2, b2, W3, b3, Wc, bc):
    n = x.shape[0]
    loop = jnp.arange(n, dtype=edge_index.dtype)
    src = jnp.concatenate([edge_index[0], loop])
    dst = jnp.concatenate([edge_index[1], loop])
    deg = jax.ops.segment_sum(jnp.ones_like(dst, dtype=x.dtype), dst, num_segments=n)
    dis = jnp.where(deg > 0, 1.0 / jnp.sqrt(deg), 0.0)
    norm = dis[src] * dis[dst]
    h = _gcn_conv(x, src, dst, norm, W1, b1, n)
    h = jax.nn.relu(h)
    h = _gcn_conv(h, src, dst, norm, W2, b2, n)
    h = jax.nn.relu(h)
    h = _gcn_conv(h, src, dst, norm, W3, b3, n)
    sums = jax.ops.segment_sum(h, batch, num_segments=G)
    cnts = jax.ops.segment_sum(jnp.ones((n,), h.dtype), batch, num_segments=G)
    pooled = sums / jnp.maximum(cnts, 1.0)[:, None]
    # dropout is identity in eval mode (training=False)
    logits = pooled @ Wc + bc
    return logits

if __name__ == "__main__":
    import jax
    _d = setup_inputs()
    print(jax.jit(kernel)(*tuple(_d.values())))

</pallas_src>

<mosaic_0001>
#map = affine_map<(d0, d1) -> (0, 0)>
#map1 = affine_map<(d0, d1) -> (0, 0, 0, 0, 0)>
#map2 = affine_map<(d0, d1) -> (0, 0, 0, 0)>
module attributes {stable_mosaic.version = 14 : i64} {
  func.func @_spmm_es(%arg0: i32, %arg1: i32, %arg2: memref<20224x128xf32, #tpu.memory_space<hbm>>, %arg3: memref<2x16x2x79x128xi32, #tpu.memory_space<hbm>>, %arg4: memref<16x2x79x128xi32, #tpu.memory_space<hbm>>, %arg5: memref<632x128xf32, #tpu.memory_space<hbm>>, %arg6: memref<20224x128xf32, #tpu.memory_space<hbm>>, %arg7: memref<79x128xi32, #tpu.memory_space<vmem>>, %arg8: memref<79x128xi32, #tpu.memory_space<vmem>>, %arg9: memref<128x128xf32, #tpu.memory_space<vmem>>, %arg10: memref<10112x128xf32, #tpu.memory_space<vmem_shared>>, %arg11: memref<!tpu.dma_semaphore, #tpu.memory_space<semaphore_mem>>) attributes {dimension_semantics = [#tpu.dimension_semantics<core_parallel>, #tpu.dimension_semantics<subcore_parallel>], iteration_bounds = array<i64: 2, 16>, scalar_prefetch = 0 : i64, scratch_operands = 5 : i64, tpu.core_type = #tpu.core_type<sc_vector_subcore>, window_params = [{transform_indices = #map}, {transform_indices = #map1}, {transform_indices = #map2}, {transform_indices = #map}, {transform_indices = #map}]} {
    %mul3A = arith.constant 632 : i32
    %mul3A_0 = arith.muli %arg1, %mul3A : i32
    %eq3A = arith.constant 0 : i32
    %eq3A_1 = arith.cmpi eq, %arg0, %eq3A : i32
    %convert_element_type3A = arith.extui %eq3A_1 : i1 to i32
    %cond3A = arith.constant 0 : i32
    %cond3A_2 = arith.cmpi ne, %convert_element_type3A, %cond3A : i32
    scf.if %cond3A_2 {
      "tpu.region"() ({
        %run_scoped3A = tpu.sem_alloc : memref<!tpu.dma_semaphore, #tpu.memory_space<semaphore_mem>>
        %dma_start3A = arith.constant 0 : i32
        %dma_start3A_16 = tpu.memref_slice %arg10[%mul3A_0, %dma_start3A] : memref<10112x128xf32, #tpu.memory_space<vmem_shared>> -> memref<632x128xf32, #tpu.memory_space<vmem_shared>>
        %dma_start3A_17 = arith.constant 0 : i32
        %dma_start3A_18 = tpu.memref_slice %arg2[%mul3A_0, %dma_start3A_17] : memref<20224x128xf32, #tpu.memory_space<hbm>> -> memref<632x128xf32, #tpu.memory_space<hbm>>
        tpu.enqueue_dma source(%dma_start3A_18 : memref<632x128xf32, #tpu.memory_space<hbm>>) target(%dma_start3A_16 : memref<632x128xf32, #tpu.memory_space<vmem_shared>>) target_semaphore(%run_scoped3A : memref<!tpu.dma_semaphore, #tpu.memory_space<semaphore_mem>>)
        %dma_wait3A = arith.constant 0 : i32
        %dma_wait3A_19 = tpu.memref_slice %arg10[%mul3A_0, %dma_wait3A] : memref<10112x128xf32, #tpu.memory_space<vmem_shared>> -> memref<632x128xf32, #tpu.memory_space<vmem_shared>>
        %dma_wait3A_20 = arith.constant 0 : i32
        %dma_wait3A_21 = tpu.memref_slice %arg2[%mul3A_0, %dma_wait3A_20] : memref<20224x128xf32, #tpu.memory_space<hbm>> -> memref<632x128xf32, #tpu.memory_space<hbm>>
        tpu.wait_dma2 semaphore(%run_scoped3A : memref<!tpu.dma_semaphore, #tpu.memory_space<semaphore_mem>>) src(%dma_wait3A_21 : memref<632x128xf32, #tpu.memory_space<hbm>>) dst(%dma_wait3A_19 : memref<632x128xf32, #tpu.memory_space<vmem_shared>>)
        tpu.yield
      }) : () -> ()
    } else {
    }
    %eq3A_3 = arith.constant 1 : i32
    %eq3A_4 = arith.cmpi eq, %arg0, %eq3A_3 : i32
    %convert_element_type3A_5 = arith.extui %eq3A_4 : i1 to i32
    %cond3A_6 = arith.constant 0 : i32
    %cond3A_7 = arith.cmpi ne, %convert_element_type3A_5, %cond3A_6 : i32
    scf.if %cond3A_7 {
      "tpu.region"() ({
        %run_scoped3A = tpu.sem_alloc : memref<!tpu.dma_semaphore, #tpu.memory_space<semaphore_mem>>
        %dma_start3A = arith.constant 0 : i32
        %dma_start3A_16 = tpu.memref_slice %arg10[%mul3A_0, %dma_start3A] : memref<10112x128xf32, #tpu.memory_space<vmem_shared>> -> memref<632x128xf32, #tpu.memory_space<vmem_shared>>
        tpu.enqueue_dma source(%arg5 : memref<632x128xf32, #tpu.memory_space<hbm>>) target(%dma_start3A_16 : memref<632x128xf32, #tpu.memory_space<vmem_shared>>) target_semaphore(%run_scoped3A : memref<!tpu.dma_semaphore, #tpu.memory_space<semaphore_mem>>)
        %dma_wait3A = arith.constant 0 : i32
        %dma_wait3A_17 = tpu.memref_slice %arg10[%mul3A_0, %dma_wait3A] : memref<10112x128xf32, #tpu.memory_space<vmem_shared>> -> memref<632x128xf32, #tpu.memory_space<vmem_shared>>
        tpu.wait_dma2 semaphore(%run_scoped3A : memref<!tpu.dma_semaphore, #tpu.memory_space<semaphore_mem>>) src(%arg5 : memref<632x128xf32, #tpu.memory_space<hbm>>) dst(%dma_wait3A_17 : memref<632x128xf32, #tpu.memory_space<vmem_shared>>)
        tpu.yield
      }) : () -> ()
    } else {
    }
    "tpu.region"() ({
      %run_scoped3A = tpu.sem_alloc : memref<!tpu.dma_semaphore, #tpu.memory_space<semaphore_mem>>
      %dma_start3A = arith.constant 0 : i32
      %dma_start3A_16 = arith.constant 0 : i32
      %dma_start3A_17 = tpu.memref_slice %arg3[%arg0, %arg1, %arg0, %dma_start3A, %dma_start3A_16] : memref<2x16x2x79x128xi32, #tpu.memory_space<hbm>> -> memref<1x1x1x79x128xi32, #tpu.memory_space<hbm>>
      %dma_start3A_18 = tpu.memref_squeeze %dma_start3A_17 : memref<1x1x1x79x128xi32, #tpu.memory_space<hbm>> -> memref<79x128xi32, #tpu.memory_space<hbm>>
      %dma_start3A_19 = arith.constant 0 : i32
      %dma_start3A_20 = arith.constant 0 : i32
      %dma_start3A_21 = tpu.memref_slice %arg3[%arg0, %arg1, %arg0, %dma_start3A_19, %dma_start3A_20] : memref<2x16x2x79x128xi32, #tpu.memory_space<hbm>> -> memref<1x1x1x79x128xi32, #tpu.memory_space<hbm>>
      %dma_start3A_22 = tpu.memref_squeeze %dma_start3A_21 : memref<1x1x1x79x128xi32, #tpu.memory_space<hbm>> -> memref<79x128xi32, #tpu.memory_space<hbm>>
      tpu.enqueue_dma source(%dma_start3A_22 : memref<79x128xi32, #tpu.memory_space<hbm>>) target(%arg7 : memref<79x128xi32, #tpu.memory_space<vmem>>) target_semaphore(%run_scoped3A : memref<!tpu.dma_semaphore, #tpu.memory_space<semaphore_mem>>)
      %dma_wait3A = arith.constant 0 : i32
      %dma_wait3A_23 = arith.constant 0 : i32
      %dma_wait3A_24 = tpu.memref_slice %arg3[%arg0, %arg1, %arg0, %dma_wait3A, %dma_wait3A_23] : memref<2x16x2x79x128xi32, #tpu.memory_space<hbm>> -> memref<1x1x1x79x128xi32, #tpu.memory_space<hbm>>
      %dma_wait3A_25 = tpu.memref_squeeze %dma_wait3A_24 : memref<1x1x1x79x128xi32, #tpu.memory_space<hbm>> -> memref<79x128xi32, #tpu.memory_space<hbm>>
      %dma_wait3A_26 = arith.constant 0 : i32
      %dma_wait3A_27 = arith.constant 0 : i32
      %dma_wait3A_28 = tpu.memref_slice %arg3[%arg0, %arg1, %arg0, %dma_wait3A_26, %dma_wait3A_27] : memref<2x16x2x79x128xi32, #tpu.memory_space<hbm>> -> memref<1x1x1x79x128xi32, #tpu.memory_space<hbm>>
      %dma_wait3A_29 = tpu.memref_squeeze %dma_wait3A_28 : memref<1x1x1x79x128xi32, #tpu.memory_space<hbm>> -> memref<79x128xi32, #tpu.memory_space<hbm>>
      tpu.wait_dma2 semaphore(%run_scoped3A : memref<!tpu.dma_semaphore, #tpu.memory_space<semaphore_mem>>) src(%dma_wait3A_29 : memref<79x128xi32, #tpu.memory_space<hbm>>) dst(%arg7 : memref<79x128xi32, #tpu.memory_space<vmem>>)
      tpu.yield
    }) : () -> ()
    "tpu.region"() ({
      %run_scoped3A = tpu.sem_alloc : memref<!tpu.dma_semaphore, #tpu.memory_space<semaphore_mem>>
      %dma_start3A = arith.constant 0 : i32
      %dma_start3A_16 = arith.constant 0 : i32
      %dma_start3A_17 = tpu.memref_slice %arg4[%arg1, %arg0, %dma_start3A, %dma_start3A_16] : memref<16x2x79x128xi32, #tpu.memory_space<hbm>> -> memref<1x1x79x128xi32, #tpu.memory_space<hbm>>
      %dma_start3A_18 = tpu.memref_squeeze %dma_start3A_17 : memref<1x1x79x128xi32, #tpu.memory_space<hbm>> -> memref<79x128xi32, #tpu.memory_space<hbm>>
      %dma_start3A_19 = arith.constant 0 : i32
      %dma_start3A_20 = arith.constant 0 : i32
      %dma_start3A_21 = tpu.memref_slice %arg4[%arg1, %arg0, %dma_start3A_19, %dma_start3A_20] : memref<16x2x79x128xi32, #tpu.memory_space<hbm>> -> memref<1x1x79x128xi32, #tpu.memory_space<hbm>>
      %dma_start3A_22 = tpu.memref_squeeze %dma_start3A_21 : memref<1x1x79x128xi32, #tpu.memory_space<hbm>> -> memref<79x128xi32, #tpu.memory_space<hbm>>
      tpu.enqueue_dma source(%dma_start3A_22 : memref<79x128xi32, #tpu.memory_space<hbm>>) target(%arg8 : memref<79x128xi32, #tpu.memory_space<vmem>>) target_semaphore(%run_scoped3A : memref<!tpu.dma_semaphore, #tpu.memory_space<semaphore_mem>>)
      %dma_wait3A = arith.constant 0 : i32
      %dma_wait3A_23 = arith.constant 0 : i32
      %dma_wait3A_24 = tpu.memref_slice %arg4[%arg1, %arg0, %dma_wait3A, %dma_wait3A_23] : memref<16x2x79x128xi32, #tpu.memory_space<hbm>> -> memref<1x1x79x128xi32, #tpu.memory_space<hbm>>
      %dma_wait3A_25 = tpu.memref_squeeze %dma_wait3A_24 : memref<1x1x79x128xi32, #tpu.memory_space<hbm>> -> memref<79x128xi32, #tpu.memory_space<hbm>>
      %dma_wait3A_26 = arith.constant 0 : i32
      %dma_wait3A_27 = arith.constant 0 : i32
      %dma_wait3A_28 = tpu.memref_slice %arg4[%arg1, %arg0, %dma_wait3A_26, %dma_wait3A_27] : memref<16x2x79x128xi32, #tpu.memory_space<hbm>> -> memref<1x1x79x128xi32, #tpu.memory_space<hbm>>
      %dma_wait3A_29 = tpu.memref_squeeze %dma_wait3A_28 : memref<1x1x79x128xi32, #tpu.memory_space<hbm>> -> memref<79x128xi32, #tpu.memory_space<hbm>>
      tpu.wait_dma2 semaphore(%run_scoped3A : memref<!tpu.dma_semaphore, #tpu.memory_space<semaphore_mem>>) src(%dma_wait3A_29 : memref<79x128xi32, #tpu.memory_space<hbm>>) dst(%arg8 : memref<79x128xi32, #tpu.memory_space<vmem>>)
      tpu.yield
    }) : () -> ()
    %barrier3A = arith.constant 0 : index
    tpu.barrier barrier_id(%barrier3A)
    %scan3A = arith.constant 0 : i32
    %scan3A_8 = arith.constant 0 : i32
    %scan3A_9 = arith.constant 79 : i32
    %scan3A_10 = arith.addi %scan3A_8, %scan3A_9 : i32
    %scan3A_11 = arith.constant 1 : i32
    scf.for %scan3A_16 = %scan3A_8 to %scan3A_10 step %scan3A_11  : i32 {
      %dma_start3A = arith.constant 0 : i32
      %dma_start3A_17 = tpu.memref_slice %arg7[%scan3A_16, %dma_start3A] : memref<79x128xi32, #tpu.memory_space<vmem>> -> memref<1x128xi32, #tpu.memory_space<vmem>>
      %dma_start3A_18 = tpu.memref_squeeze %dma_start3A_17 : memref<1x128xi32, #tpu.memory_space<vmem>> -> memref<128xi32, #tpu.memory_space<vmem>>
      %dma_start3A_19 = arith.constant 0 : i32
      %dma_start3A_20 = arith.constant 0 : i32
      %dma_start3A_21 = tpu.memref_slice %arg2[%dma_start3A_19, %dma_start3A_20] : memref<20224x128xf32, #tpu.memory_space<hbm>> -> memref<20224x128xf32, #tpu.memory_space<hbm>>
      tpu.enqueue_indirect_dma source(%dma_start3A_21 : memref<20224x128xf32, #tpu.memory_space<hbm>>) target(%arg9 : memref<128x128xf32, #tpu.memory_space<vmem>>) offsets(%dma_start3A_18 : memref<128xi32, #tpu.memory_space<vmem>>) semaphore(%arg11 : memref<!tpu.dma_semaphore, #tpu.memory_space<semaphore_mem>>)
      %dma_wait3A = arith.constant 0 : i32
      %dma_wait3A_22 = tpu.memref_slice %arg7[%scan3A_16, %dma_wait3A] : memref<79x128xi32, #tpu.memory_space<vmem>> -> memref<1x128xi32, #tpu.memory_space<vmem>>
      %dma_wait3A_23 = tpu.memref_squeeze %dma_wait3A_22 : memref<1x128xi32, #tpu.memory_space<vmem>> -> memref<128xi32, #tpu.memory_space<vmem>>
      %dma_wait3A_24 = arith.constant 0 : i32
      %dma_wait3A_25 = arith.constant 0 : i32
      %dma_wait3A_26 = tpu.memref_slice %arg2[%dma_wait3A_24, %dma_wait3A_25] : memref<20224x128xf32, #tpu.memory_space<hbm>> -> memref<20224x128xf32, #tpu.memory_space<hbm>>
      tpu.wait_indirect_dma semaphore(%arg11 : memref<!tpu.dma_semaphore, #tpu.memory_space<semaphore_mem>>) src(%dma_wait3A_26 : memref<20224x128xf32, #tpu.memory_space<hbm>>) dst(%arg9 : memref<128x128xf32, #tpu.memory_space<vmem>>)
      "tpu.region"() ({
        %run_scoped3A = tpu.sem_alloc : memref<!tpu.dma_semaphore, #tpu.memory_space<semaphore_mem>>
        %dma_start3A_27 = arith.constant 0 : i32
        %dma_start3A_28 = tpu.memref_slice %arg8[%scan3A_16, %dma_start3A_27] : memref<79x128xi32, #tpu.memory_space<vmem>> -> memref<1x128xi32, #tpu.memory_space<vmem>>
        %dma_start3A_29 = tpu.memref_squeeze %dma_start3A_28 : memref<1x128xi32, #tpu.memory_space<vmem>> -> memref<128xi32, #tpu.memory_space<vmem>>
        %dma_start3A_30 = arith.constant 0 : i32
        %dma_start3A_31 = arith.constant 0 : i32
        %dma_start3A_32 = tpu.memref_slice %arg10[%dma_start3A_30, %dma_start3A_31] : memref<10112x128xf32, #tpu.memory_space<vmem_shared>> -> memref<10112x128xf32, #tpu.memory_space<vmem_shared>>
        tpu.enqueue_indirect_dma source(%arg9 : memref<128x128xf32, #tpu.memory_space<vmem>>) target(%dma_start3A_32 : memref<10112x128xf32, #tpu.memory_space<vmem_shared>>) offsets(%dma_start3A_29 : memref<128xi32, #tpu.memory_space<vmem>>) semaphore(%run_scoped3A : memref<!tpu.dma_semaphore, #tpu.memory_space<semaphore_mem>>) {add = true}
        %dma_wait3A_33 = arith.constant 0 : i32
        %dma_wait3A_34 = tpu.memref_slice %arg8[%scan3A_16, %dma_wait3A_33] : memref<79x128xi32, #tpu.memory_space<vmem>> -> memref<1x128xi32, #tpu.memory_space<vmem>>
        %dma_wait3A_35 = tpu.memref_squeeze %dma_wait3A_34 : memref<1x128xi32, #tpu.memory_space<vmem>> -> memref<128xi32, #tpu.memory_space<vmem>>
        %dma_wait3A_36 = arith.constant 0 : i32
        %dma_wait3A_37 = arith.constant 0 : i32
        %dma_wait3A_38 = tpu.memref_slice %arg10[%dma_wait3A_36, %dma_wait3A_37] : memref<10112x128xf32, #tpu.memory_space<vmem_shared>> -> memref<10112x128xf32, #tpu.memory_space<vmem_shared>>
        tpu.wait_indirect_dma semaphore(%run_scoped3A : memref<!tpu.dma_semaphore, #tpu.memory_space<semaphore_mem>>) src(%arg9 : memref<128x128xf32, #tpu.memory_space<vmem>>) dst(%dma_wait3A_38 : memref<10112x128xf32, #tpu.memory_space<vmem_shared>>)
        tpu.yield
      }) : () -> ()
    }
    %scan3A_12 = arith.constant 79 : i32
    %barrier3A_13 = arith.constant 0 : index
    tpu.barrier barrier_id(%barrier3A_13)
    %mul3A_14 = arith.constant 10112 : i32
    %mul3A_15 = arith.muli %arg0, %mul3A_14 : i32
    %add3A = arith.addi %mul3A_15, %mul3A_0 : i32
    "tpu.region"() ({
      %run_scoped3A = tpu.sem_alloc : memref<!tpu.dma_semaphore, #tpu.memory_space<semaphore_mem>>
      %dma_start3A = arith.constant 0 : i32
      %dma_start3A_16 = tpu.memref_slice %arg6[%add3A, %dma_start3A] : memref<20224x128xf32, #tpu.memory_space<hbm>> -> memref<632x128xf32, #tpu.memory_space<hbm>>
      %dma_start3A_17 = arith.constant 0 : i32
      %dma_start3A_18 = tpu.memref_slice %arg10[%mul3A_0, %dma_start3A_17] : memref<10112x128xf32, #tpu.memory_space<vmem_shared>> -> memref<632x128xf32, #tpu.memory_space<vmem_shared>>
      tpu.enqueue_dma source(%dma_start3A_18 : memref<632x128xf32, #tpu.memory_space<vmem_shared>>) target(%dma_start3A_16 : memref<632x128xf32, #tpu.memory_space<hbm>>) target_semaphore(%run_scoped3A : memref<!tpu.dma_semaphore, #tpu.memory_space<semaphore_mem>>)
      %dma_wait3A = arith.constant 0 : i32
      %dma_wait3A_19 = tpu.memref_slice %arg6[%add3A, %dma_wait3A] : memref<20224x128xf32, #tpu.memory_space<hbm>> -> memref<632x128xf32, #tpu.memory_space<hbm>>
      %dma_wait3A_20 = arith.constant 0 : i32
      %dma_wait3A_21 = tpu.memref_slice %arg10[%mul3A_0, %dma_wait3A_20] : memref<10112x128xf32, #tpu.memory_space<vmem_shared>> -> memref<632x128xf32, #tpu.memory_space<vmem_shared>>
      tpu.wait_dma2 semaphore(%run_scoped3A : memref<!tpu.dma_semaphore, #tpu.memory_space<semaphore_mem>>) src(%dma_wait3A_21 : memref<632x128xf32, #tpu.memory_space<vmem_shared>>) dst(%dma_wait3A_19 : memref<632x128xf32, #tpu.memory_space<hbm>>)
      tpu.yield
    }) : () -> ()
    return
  }
}

#map = affine_map<(d0, d1) -> (0, 0)>
#map1 = affine_map<(d0, d1) -> (0, 0, 0, 0)>
module attributes {stable_mosaic.version = 14 : i64} {
  func.func @_deg(%arg0: i32, %arg1: i32, %arg2: memref<128x128xf32, #tpu.memory_space<hbm>>, %arg3: memref<2x16x79x128xi32, #tpu.memory_space<hbm>>, %arg4: memref<632x128xf32, #tpu.memory_space<hbm>>, %arg5: memref<20224x128xf32, #tpu.memory_space<hbm>>, %arg6: memref<79x128xi32, #tpu.memory_space<vmem>>, %arg7: memref<128x128xf32, #tpu.memory_space<vmem>>, %arg8: memref<10112x128xf32, #tpu.memory_space<vmem_shared>>) attributes {dimension_semantics = [#tpu.dimension_semantics<core_parallel>, #tpu.dimension_semantics<subcore_parallel>], iteration_bounds = array<i64: 2, 16>, scalar_prefetch = 0 : i64, scratch_operands = 3 : i64, tpu.core_type = #tpu.core_type<sc_vector_subcore>, window_params = [{transform_indices = #map}, {transform_indices = #map1}, {transform_indices = #map}, {transform_indices = #map}]} {
    "tpu.region"() ({
      %run_scoped3A = tpu.sem_alloc : memref<!tpu.dma_semaphore, #tpu.memory_space<semaphore_mem>>
      tpu.enqueue_dma source(%arg2 : memref<128x128xf32, #tpu.memory_space<hbm>>) target(%arg7 : memref<128x128xf32, #tpu.memory_space<vmem>>) target_semaphore(%run_scoped3A : memref<!tpu.dma_semaphore, #tpu.memory_space<semaphore_mem>>)
      tpu.wait_dma2 semaphore(%run_scoped3A : memref<!tpu.dma_semaphore, #tpu.memory_space<semaphore_mem>>) src(%arg2 : memref<128x128xf32, #tpu.memory_space<hbm>>) dst(%arg7 : memref<128x128xf32, #tpu.memory_space<vmem>>)
      tpu.yield
    }) : () -> ()
    %mul3A = arith.constant 632 : i32
    %mul3A_0 = arith.muli %arg1, %mul3A : i32
    "tpu.region"() ({
      %run_scoped3A = tpu.sem_alloc : memref<!tpu.dma_semaphore, #tpu.memory_space<semaphore_mem>>
      %dma_start3A = arith.constant 0 : i32
      %dma_start3A_9 = tpu.memref_slice %arg8[%mul3A_0, %dma_start3A] : memref<10112x128xf32, #tpu.memory_space<vmem_shared>> -> memref<632x128xf32, #tpu.memory_space<vmem_shared>>
      tpu.enqueue_dma source(%arg4 : memref<632x128xf32, #tpu.memory_space<hbm>>) target(%dma_start3A_9 : memref<632x128xf32, #tpu.memory_space<vmem_shared>>) target_semaphore(%run_scoped3A : memref<!tpu.dma_semaphore, #tpu.memory_space<semaphore_mem>>)
      %dma_wait3A = arith.constant 0 : i32
      %dma_wait3A_10 = tpu.memref_slice %arg8[%mul3A_0, %dma_wait3A] : memref<10112x128xf32, #tpu.memory_space<vmem_shared>> -> memref<632x128xf32, #tpu.memory_space<vmem_shared>>
      tpu.wait_dma2 semaphore(%run_scoped3A : memref<!tpu.dma_semaphore, #tpu.memory_space<semaphore_mem>>) src(%arg4 : memref<632x128xf32, #tpu.memory_space<hbm>>) dst(%dma_wait3A_10 : memref<632x128xf32, #tpu.memory_space<vmem_shared>>)
      tpu.yield
    }) : () -> ()
    %barrier3A = arith.constant 0 : index
    tpu.barrier barrier_id(%barrier3A)
    "tpu.region"() ({
      %run_scoped3A = tpu.sem_alloc : memref<!tpu.dma_semaphore, #tpu.memory_space<semaphore_mem>>
      %dma_start3A = arith.constant 0 : i32
      %dma_start3A_9 = arith.constant 0 : i32
      %dma_start3A_10 = tpu.memref_slice %arg3[%arg0, %arg1, %dma_start3A, %dma_start3A_9] : memref<2x16x79x128xi32, #tpu.memory_space<hbm>> -> memref<1x1x79x128xi32, #tpu.memory_space<hbm>>
      %dma_start3A_11 = tpu.memref_squeeze %dma_start3A_10 : memref<1x1x79x128xi32, #tpu.memory_space<hbm>> -> memref<79x128xi32, #tpu.memory_space<hbm>>
      %dma_start3A_12 = arith.constant 0 : i32
      %dma_start3A_13 = arith.constant 0 : i32
      %dma_start3A_14 = tpu.memref_slice %arg3[%arg0, %arg1, %dma_start3A_12, %dma_start3A_13] : memref<2x16x79x128xi32, #tpu.memory_space<hbm>> -> memref<1x1x79x128xi32, #tpu.memory_space<hbm>>
      %dma_start3A_15 = tpu.memref_squeeze %dma_start3A_14 : memref<1x1x79x128xi32, #tpu.memory_space<hbm>> -> memref<79x128xi32, #tpu.memory_space<hbm>>
      tpu.enqueue_dma source(%dma_start3A_15 : memref<79x128xi32, #tpu.memory_space<hbm>>) target(%arg6 : memref<79x128xi32, #tpu.memory_space<vmem>>) target_semaphore(%run_scoped3A : memref<!tpu.dma_semaphore, #tpu.memory_space<semaphore_mem>>)
      %dma_wait3A = arith.constant 0 : i32
      %dma_wait3A_16 = arith.constant 0 : i32
      %dma_wait3A_17 = tpu.memref_slice %arg3[%arg0, %arg1, %dma_wait3A, %dma_wait3A_16] : memref<2x16x79x128xi32, #tpu.memory_space<hbm>> -> memref<1x1x79x128xi32, #tpu.memory_space<hbm>>
      %dma_wait3A_18 = tpu.memref_squeeze %dma_wait3A_17 : memref<1x1x79x128xi32, #tpu.memory_space<hbm>> -> memref<79x128xi32, #tpu.memory_space<hbm>>
      %dma_wait3A_19 = arith.constant 0 : i32
      %dma_wait3A_20 = arith.constant 0 : i32
      %dma_wait3A_21 = tpu.memref_slice %arg3[%arg0, %arg1, %dma_wait3A_19, %dma_wait3A_20] : memref<2x16x79x128xi32, #tpu.memory_space<hbm>> -> memref<1x1x79x128xi32, #tpu.memory_space<hbm>>
      %dma_wait3A_22 = tpu.memref_squeeze %dma_wait3A_21 : memref<1x1x79x128xi32, #tpu.memory_space<hbm>> -> memref<79x128xi32, #tpu.memory_space<hbm>>
      tpu.wait_dma2 semaphore(%run_scoped3A : memref<!tpu.dma_semaphore, #tpu.memory_space<semaphore_mem>>) src(%dma_wait3A_22 : memref<79x128xi32, #tpu.memory_space<hbm>>) dst(%arg6 : memref<79x128xi32, #tpu.memory_space<vmem>>)
      tpu.yield
    }) : () -> ()
    %scan3A = arith.constant 0 : i32
    %scan3A_1 = arith.constant 0 : i32
    %scan3A_2 = arith.constant 79 : i32
    %scan3A_3 = arith.addi %scan3A_1, %scan3A_2 : i32
    %scan3A_4 = arith.constant 1 : i32
    scf.for %scan3A_9 = %scan3A_1 to %scan3A_3 step %scan3A_4  : i32 {
      "tpu.region"() ({
        %run_scoped3A = tpu.sem_alloc : memref<!tpu.dma_semaphore, #tpu.memory_space<semaphore_mem>>
        %dma_start3A = arith.constant 0 : i32
        %dma_start3A_10 = tpu.memref_slice %arg6[%scan3A_9, %dma_start3A] : memref<79x128xi32, #tpu.memory_space<vmem>> -> memref<1x128xi32, #tpu.memory_space<vmem>>
        %dma_start3A_11 = tpu.memref_squeeze %dma_start3A_10 : memref<1x128xi32, #tpu.memory_space<vmem>> -> memref<128xi32, #tpu.memory_space<vmem>>
        %dma_start3A_12 = arith.constant 0 : i32
        %dma_start3A_13 = arith.constant 0 : i32
        %dma_start3A_14 = tpu.memref_slice %arg8[%dma_start3A_12, %dma_start3A_13] : memref<10112x128xf32, #tpu.memory_space<vmem_shared>> -> memref<10112x128xf32, #tpu.memory_space<vmem_shared>>
        tpu.enqueue_indirect_dma source(%arg7 : memref<128x128xf32, #tpu.memory_space<vmem>>) target(%dma_start3A_14 : memref<10112x128xf32, #tpu.memory_space<vmem_shared>>) offsets(%dma_start3A_11 : memref<128xi32, #tpu.memory_space<vmem>>) semaphore(%run_scoped3A : memref<!tpu.dma_semaphore, #tpu.memory_space<semaphore_mem>>) {add = true}
        %dma_wait3A = arith.constant 0 : i32
        %dma_wait3A_15 = tpu.memref_slice %arg6[%scan3A_9, %dma_wait3A] : memref<79x128xi32, #tpu.memory_space<vmem>> -> memref<1x128xi32, #tpu.memory_space<vmem>>
        %dma_wait3A_16 = tpu.memref_squeeze %dma_wait3A_15 : memref<1x128xi32, #tpu.memory_space<vmem>> -> memref<128xi32, #tpu.memory_space<vmem>>
        %dma_wait3A_17 = arith.constant 0 : i32
        %dma_wait3A_18 = arith.constant 0 : i32
        %dma_wait3A_19 = tpu.memref_slice %arg8[%dma_wait3A_17, %dma_wait3A_18] : memref<10112x128xf32, #tpu.memory_space<vmem_shared>> -> memref<10112x128xf32, #tpu.memory_space<vmem_shared>>
        tpu.wait_indirect_dma semaphore(%run_scoped3A : memref<!tpu.dma_semaphore, #tpu.memory_space<semaphore_mem>>) src(%arg7 : memref<128x128xf32, #tpu.memory_space<vmem>>) dst(%dma_wait3A_19 : memref<10112x128xf32, #tpu.memory_space<vmem_shared>>)
        tpu.yield
      }) : () -> ()
    }
    %scan3A_5 = arith.constant 79 : i32
    %barrier3A_6 = arith.constant 0 : index
    tpu.barrier barrier_id(%barrier3A_6)
    %mul3A_7 = arith.constant 10112 : i32
    %mul3A_8 = arith.muli %arg0, %mul3A_7 : i32
    %add3A = arith.addi %mul3A_8, %mul3A_0 : i32
    "tpu.region"() ({
      %run_scoped3A = tpu.sem_alloc : memref<!tpu.dma_semaphore, #tpu.memory_space<semaphore_mem>>
      %dma_start3A = arith.constant 0 : i32
      %dma_start3A_9 = tpu.memref_slice %arg5[%add3A, %dma_start3A] : memref<20224x128xf32, #tpu.memory_space<hbm>> -> memref<632x128xf32, #tpu.memory_space<hbm>>
      %dma_start3A_10 = arith.constant 0 : i32
      %dma_start3A_11 = tpu.memref_slice %arg8[%mul3A_0, %dma_start3A_10] : memref<10112x128xf32, #tpu.memory_space<vmem_shared>> -> memref<632x128xf32, #tpu.memory_space<vmem_shared>>
      tpu.enqueue_dma source(%dma_start3A_11 : memref<632x128xf32, #tpu.memory_space<vmem_shared>>) target(%dma_start3A_9 : memref<632x128xf32, #tpu.memory_space<hbm>>) target_semaphore(%run_scoped3A : memref<!tpu.dma_semaphore, #tpu.memory_space<semaphore_mem>>)
      %dma_wait3A = arith.constant 0 : i32
      %dma_wait3A_12 = tpu.memref_slice %arg5[%add3A, %dma_wait3A] : memref<20224x128xf32, #tpu.memory_space<hbm>> -> memref<632x128xf32, #tpu.memory_space<hbm>>
      %dma_wait3A_13 = arith.constant 0 : i32
      %dma_wait3A_14 = tpu.memref_slice %arg8[%mul3A_0, %dma_wait3A_13] : memref<10112x128xf32, #tpu.memory_space<vmem_shared>> -> memref<632x128xf32, #tpu.memory_space<vmem_shared>>
      tpu.wait_dma2 semaphore(%run_scoped3A : memref<!tpu.dma_semaphore, #tpu.memory_space<semaphore_mem>>) src(%dma_wait3A_14 : memref<632x128xf32, #tpu.memory_space<vmem_shared>>) dst(%dma_wait3A_12 : memref<632x128xf32, #tpu.memory_space<hbm>>)
      tpu.yield
    }) : () -> ()
    return
  }
}

#map = affine_map<(d0, d1) -> (0, 0)>
#map1 = affine_map<(d0, d1) -> (0, 0, 0, 0, 0)>
#map2 = affine_map<(d0, d1) -> (0, 0, 0, 0)>
module attributes {stable_mosaic.version = 14 : i64} {
  func.func @_spmm_fs(%arg0: i32, %arg1: i32, %arg2: memref<20224x128xf32, #tpu.memory_space<hbm>>, %arg3: memref<2x16x2x79x128xi32, #tpu.memory_space<hbm>>, %arg4: memref<16x2x79x128xi32, #tpu.memory_space<hbm>>, %arg5: memref<20224x128xf32, #tpu.memory_space<hbm>>, %arg6: memref<79x128xi32, #tpu.memory_space<vmem>>, %arg7: memref<79x128xi32, #tpu.memory_space<vmem>>, %arg8: memref<128x128xf32, #tpu.memory_space<vmem>>, %arg9: memref<10112x128xf32, #tpu.memory_space<vmem_shared>>, %arg10: memref<!tpu.dma_semaphore, #tpu.memory_space<semaphore_mem>>) attributes {dimension_semantics = [#tpu.dimension_semantics<core_parallel>, #tpu.dimension_semantics<subcore_parallel>], iteration_bounds = array<i64: 2, 16>, scalar_prefetch = 0 : i64, scratch_operands = 5 : i64, tpu.core_type = #tpu.core_type<sc_vector_subcore>, window_params = [{transform_indices = #map}, {transform_indices = #map1}, {transform_indices = #map2}, {transform_indices = #map}]} {
    %mul3A = arith.constant 632 : i32
    %mul3A_0 = arith.muli %arg1, %mul3A : i32
    %mul3A_1 = arith.constant 10112 : i32
    %mul3A_2 = arith.muli %arg0, %mul3A_1 : i32
    %add3A = arith.addi %mul3A_2, %mul3A_0 : i32
    "tpu.region"() ({
      %run_scoped3A = tpu.sem_alloc : memref<!tpu.dma_semaphore, #tpu.memory_space<semaphore_mem>>
      %dma_start3A = arith.constant 0 : i32
      %dma_start3A_12 = tpu.memref_slice %arg9[%mul3A_0, %dma_start3A] : memref<10112x128xf32, #tpu.memory_space<vmem_shared>> -> memref<632x128xf32, #tpu.memory_space<vmem_shared>>
      %dma_start3A_13 = arith.constant 0 : i32
      %dma_start3A_14 = tpu.memref_slice %arg2[%add3A, %dma_start3A_13] : memref<20224x128xf32, #tpu.memory_space<hbm>> -> memref<632x128xf32, #tpu.memory_space<hbm>>
      tpu.enqueue_dma source(%dma_start3A_14 : memref<632x128xf32, #tpu.memory_space<hbm>>) target(%dma_start3A_12 : memref<632x128xf32, #tpu.memory_space<vmem_shared>>) target_semaphore(%run_scoped3A : memref<!tpu.dma_semaphore, #tpu.memory_space<semaphore_mem>>)
      %dma_wait3A = arith.constant 0 : i32
      %dma_wait3A_15 = tpu.memref_slice %arg9[%mul3A_0, %dma_wait3A] : memref<10112x128xf32, #tpu.memory_space<vmem_shared>> -> memref<632x128xf32, #tpu.memory_space<vmem_shared>>
      %dma_wait3A_16 = arith.constant 0 : i32
      %dma_wait3A_17 = tpu.memref_slice %arg2[%add3A, %dma_wait3A_16] : memref<20224x128xf32, #tpu.memory_space<hbm>> -> memref<632x128xf32, #tpu.memory_space<hbm>>
      tpu.wait_dma2 semaphore(%run_scoped3A : memref<!tpu.dma_semaphore, #tpu.memory_space<semaphore_mem>>) src(%dma_wait3A_17 : memref<632x128xf32, #tpu.memory_space<hbm>>) dst(%dma_wait3A_15 : memref<632x128xf32, #tpu.memory_space<vmem_shared>>)
      tpu.yield
    }) : () -> ()
    %barrier3A = arith.constant 0 : index
    tpu.barrier barrier_id(%barrier3A)
    %scan3A = arith.constant 0 : i32
    %scan3A_3 = arith.constant 0 : i32
    %scan3A_4 = arith.constant 2 : i32
    %scan3A_5 = arith.addi %scan3A_3, %scan3A_4 : i32
    %scan3A_6 = arith.constant 1 : i32
    scf.for %scan3A_12 = %scan3A_3 to %scan3A_5 step %scan3A_6  : i32 {
      "tpu.region"() ({
        %run_scoped3A = tpu.sem_alloc : memref<!tpu.dma_semaphore, #tpu.memory_space<semaphore_mem>>
        %dma_start3A = arith.constant 0 : i32
        %dma_start3A_19 = arith.constant 0 : i32
        %dma_start3A_20 = tpu.memref_slice %arg3[%arg0, %arg1, %scan3A_12, %dma_start3A, %dma_start3A_19] : memref<2x16x2x79x128xi32, #tpu.memory_space<hbm>> -> memref<1x1x1x79x128xi32, #tpu.memory_space<hbm>>
        %dma_start3A_21 = tpu.memref_squeeze %dma_start3A_20 : memref<1x1x1x79x128xi32, #tpu.memory_space<hbm>> -> memref<79x128xi32, #tpu.memory_space<hbm>>
        %dma_start3A_22 = arith.constant 0 : i32
        %dma_start3A_23 = arith.constant 0 : i32
        %dma_start3A_24 = tpu.memref_slice %arg3[%arg0, %arg1, %scan3A_12, %dma_start3A_22, %dma_start3A_23] : memref<2x16x2x79x128xi32, #tpu.memory_space<hbm>> -> memref<1x1x1x79x128xi32, #tpu.memory_space<hbm>>
        %dma_start3A_25 = tpu.memref_squeeze %dma_start3A_24 : memref<1x1x1x79x128xi32, #tpu.memory_space<hbm>> -> memref<79x128xi32, #tpu.memory_space<hbm>>
        tpu.enqueue_dma source(%dma_start3A_25 : memref<79x128xi32, #tpu.memory_space<hbm>>) target(%arg6 : memref<79x128xi32, #tpu.memory_space<vmem>>) target_semaphore(%run_scoped3A : memref<!tpu.dma_semaphore, #tpu.memory_space<semaphore_mem>>)
        %dma_wait3A = arith.constant 0 : i32
        %dma_wait3A_26 = arith.constant 0 : i32
        %dma_wait3A_27 = tpu.memref_slice %arg3[%arg0, %arg1, %scan3A_12, %dma_wait3A, %dma_wait3A_26] : memref<2x16x2x79x128xi32, #tpu.memory_space<hbm>> -> memref<1x1x1x79x128xi32, #tpu.memory_space<hbm>>
        %dma_wait3A_28 = tpu.memref_squeeze %dma_wait3A_27 : memref<1x1x1x79x128xi32, #tpu.memory_space<hbm>> -> memref<79x128xi32, #tpu.memory_space<hbm>>
        %dma_wait3A_29 = arith.constant 0 : i32
        %dma_wait3A_30 = arith.constant 0 : i32
        %dma_wait3A_31 = tpu.memref_slice %arg3[%arg0, %arg1, %scan3A_12, %dma_wait3A_29, %dma_wait3A_30] : memref<2x16x2x79x128xi32, #tpu.memory_space<hbm>> -> memref<1x1x1x79x128xi32, #tpu.memory_space<hbm>>
        %dma_wait3A_32 = tpu.memref_squeeze %dma_wait3A_31 : memref<1x1x1x79x128xi32, #tpu.memory_space<hbm>> -> memref<79x128xi32, #tpu.memory_space<hbm>>
        tpu.wait_dma2 semaphore(%run_scoped3A : memref<!tpu.dma_semaphore, #tpu.memory_space<semaphore_mem>>) src(%dma_wait3A_32 : memref<79x128xi32, #tpu.memory_space<hbm>>) dst(%arg6 : memref<79x128xi32, #tpu.memory_space<vmem>>)
        tpu.yield
      }) : () -> ()
      "tpu.region"() ({
        %run_scoped3A = tpu.sem_alloc : memref<!tpu.dma_semaphore, #tpu.memory_space<semaphore_mem>>
        %dma_start3A = arith.constant 0 : i32
        %dma_start3A_19 = arith.constant 0 : i32
        %dma_start3A_20 = tpu.memref_slice %arg4[%arg1, %scan3A_12, %dma_start3A, %dma_start3A_19] : memref<16x2x79x128xi32, #tpu.memory_space<hbm>> -> memref<1x1x79x128xi32, #tpu.memory_space<hbm>>
        %dma_start3A_21 = tpu.memref_squeeze %dma_start3A_20 : memref<1x1x79x128xi32, #tpu.memory_space<hbm>> -> memref<79x128xi32, #tpu.memory_space<hbm>>
        %dma_start3A_22 = arith.constant 0 : i32
        %dma_start3A_23 = arith.constant 0 : i32
        %dma_start3A_24 = tpu.memref_slice %arg4[%arg1, %scan3A_12, %dma_start3A_22, %dma_start3A_23] : memref<16x2x79x128xi32, #tpu.memory_space<hbm>> -> memref<1x1x79x128xi32, #tpu.memory_space<hbm>>
        %dma_start3A_25 = tpu.memref_squeeze %dma_start3A_24 : memref<1x1x79x128xi32, #tpu.memory_space<hbm>> -> memref<79x128xi32, #tpu.memory_space<hbm>>
        tpu.enqueue_dma source(%dma_start3A_25 : memref<79x128xi32, #tpu.memory_space<hbm>>) target(%arg7 : memref<79x128xi32, #tpu.memory_space<vmem>>) target_semaphore(%run_scoped3A : memref<!tpu.dma_semaphore, #tpu.memory_space<semaphore_mem>>)
        %dma_wait3A = arith.constant 0 : i32
        %dma_wait3A_26 = arith.constant 0 : i32
        %dma_wait3A_27 = tpu.memref_slice %arg4[%arg1, %scan3A_12, %dma_wait3A, %dma_wait3A_26] : memref<16x2x79x128xi32, #tpu.memory_space<hbm>> -> memref<1x1x79x128xi32, #tpu.memory_space<hbm>>
        %dma_wait3A_28 = tpu.memref_squeeze %dma_wait3A_27 : memref<1x1x79x128xi32, #tpu.memory_space<hbm>> -> memref<79x128xi32, #tpu.memory_space<hbm>>
        %dma_wait3A_29 = arith.constant 0 : i32
        %dma_wait3A_30 = arith.constant 0 : i32
        %dma_wait3A_31 = tpu.memref_slice %arg4[%arg1, %scan3A_12, %dma_wait3A_29, %dma_wait3A_30] : memref<16x2x79x128xi32, #tpu.memory_space<hbm>> -> memref<1x1x79x128xi32, #tpu.memory_space<hbm>>
        %dma_wait3A_32 = tpu.memref_squeeze %dma_wait3A_31 : memref<1x1x79x128xi32, #tpu.memory_space<hbm>> -> memref<79x128xi32, #tpu.memory_space<hbm>>
        tpu.wait_dma2 semaphore(%run_scoped3A : memref<!tpu.dma_semaphore, #tpu.memory_space<semaphore_mem>>) src(%dma_wait3A_32 : memref<79x128xi32, #tpu.memory_space<hbm>>) dst(%arg7 : memref<79x128xi32, #tpu.memory_space<vmem>>)
        tpu.yield
      }) : () -> ()
      %scan3A_13 = arith.constant 0 : i32
      %scan3A_14 = arith.constant 0 : i32
      %scan3A_15 = arith.constant 79 : i32
      %scan3A_16 = arith.addi %scan3A_14, %scan3A_15 : i32
      %scan3A_17 = arith.constant 1 : i32
      scf.for %scan3A_19 = %scan3A_14 to %scan3A_16 step %scan3A_17  : i32 {
        %dma_start3A = arith.constant 0 : i32
        %dma_start3A_20 = tpu.memref_slice %arg6[%scan3A_19, %dma_start3A] : memref<79x128xi32, #tpu.memory_space<vmem>> -> memref<1x128xi32, #tpu.memory_space<vmem>>
        %dma_start3A_21 = tpu.memref_squeeze %dma_start3A_20 : memref<1x128xi32, #tpu.memory_space<vmem>> -> memref<128xi32, #tpu.memory_space<vmem>>
        %dma_start3A_22 = arith.constant 0 : i32
        %dma_start3A_23 = arith.constant 0 : i32
        %dma_start3A_24 = tpu.memref_slice %arg2[%dma_start3A_22, %dma_start3A_23] : memref<20224x128xf32, #tpu.memory_space<hbm>> -> memref<20224x128xf32, #tpu.memory_space<hbm>>
        tpu.enqueue_indirect_dma source(%dma_start3A_24 : memref<20224x128xf32, #tpu.memory_space<hbm>>) target(%arg8 : memref<128x128xf32, #tpu.memory_space<vmem>>) offsets(%dma_start3A_21 : memref<128xi32, #tpu.memory_space<vmem>>) semaphore(%arg10 : memref<!tpu.dma_semaphore, #tpu.memory_space<semaphore_mem>>)
        %dma_wait3A = arith.constant 0 : i32
        %dma_wait3A_25 = tpu.memref_slice %arg6[%scan3A_19, %dma_wait3A] : memref<79x128xi32, #tpu.memory_space<vmem>> -> memref<1x128xi32, #tpu.memory_space<vmem>>
        %dma_wait3A_26 = tpu.memref_squeeze %dma_wait3A_25 : memref<1x128xi32, #tpu.memory_space<vmem>> -> memref<128xi32, #tpu.memory_space<vmem>>
        %dma_wait3A_27 = arith.constant 0 : i32
        %dma_wait3A_28 = arith.constant 0 : i32
        %dma_wait3A_29 = tpu.memref_slice %arg2[%dma_wait3A_27, %dma_wait3A_28] : memref<20224x128xf32, #tpu.memory_space<hbm>> -> memref<20224x128xf32, #tpu.memory_space<hbm>>
        tpu.wait_indirect_dma semaphore(%arg10 : memref<!tpu.dma_semaphore, #tpu.memory_space<semaphore_mem>>) src(%dma_wait3A_29 : memref<20224x128xf32, #tpu.memory_space<hbm>>) dst(%arg8 : memref<128x128xf32, #tpu.memory_space<vmem>>)
        "tpu.region"() ({
          %run_scoped3A = tpu.sem_alloc : memref<!tpu.dma_semaphore, #tpu.memory_space<semaphore_mem>>
          %dma_start3A_30 = arith.constant 0 : i32
          %dma_start3A_31 = tpu.memref_slice %arg7[%scan3A_19, %dma_start3A_30] : memref<79x128xi32, #tpu.memory_space<vmem>> -> memref<1x128xi32, #tpu.memory_space<vmem>>
          %dma_start3A_32 = tpu.memref_squeeze %dma_start3A_31 : memref<1x128xi32, #tpu.memory_space<vmem>> -> memref<128xi32, #tpu.memory_space<vmem>>
          %dma_start3A_33 = arith.constant 0 : i32
          %dma_start3A_34 = arith.constant 0 : i32
          %dma_start3A_35 = tpu.memref_slice %arg9[%dma_start3A_33, %dma_start3A_34] : memref<10112x128xf32, #tpu.memory_space<vmem_shared>> -> memref<10112x128xf32, #tpu.memory_space<vmem_shared>>
          tpu.enqueue_indirect_dma source(%arg8 : memref<128x128xf32, #tpu.memory_space<vmem>>) target(%dma_start3A_35 : memref<10112x128xf32, #tpu.memory_space<vmem_shared>>) offsets(%dma_start3A_32 : memref<128xi32, #tpu.memory_space<vmem>>) semaphore(%run_scoped3A : memref<!tpu.dma_semaphore, #tpu.memory_space<semaphore_mem>>) {add = true}
          %dma_wait3A_36 = arith.constant 0 : i32
          %dma_wait3A_37 = tpu.memref_slice %arg7[%scan3A_19, %dma_wait3A_36] : memref<79x128xi32, #tpu.memory_space<vmem>> -> memref<1x128xi32, #tpu.memory_space<vmem>>
          %dma_wait3A_38 = tpu.memref_squeeze %dma_wait3A_37 : memref<1x128xi32, #tpu.memory_space<vmem>> -> memref<128xi32, #tpu.memory_space<vmem>>
          %dma_wait3A_39 = arith.constant 0 : i32
          %dma_wait3A_40 = arith.constant 0 : i32
          %dma_wait3A_41 = tpu.memref_slice %arg9[%dma_wait3A_39, %dma_wait3A_40] : memref<10112x128xf32, #tpu.memory_space<vmem_shared>> -> memref<10112x128xf32, #tpu.memory_space<vmem_shared>>
          tpu.wait_indirect_dma semaphore(%run_scoped3A : memref<!tpu.dma_semaphore, #tpu.memory_space<semaphore_mem>>) src(%arg8 : memref<128x128xf32, #tpu.memory_space<vmem>>) dst(%dma_wait3A_41 : memref<10112x128xf32, #tpu.memory_space<vmem_shared>>)
          tpu.yield
        }) : () -> ()
      }
      %scan3A_18 = arith.constant 79 : i32
    }
    %scan3A_7 = arith.constant 2 : i32
    %barrier3A_8 = arith.constant 0 : index
    tpu.barrier barrier_id(%barrier3A_8)
    %mul3A_9 = arith.constant 10112 : i32
    %mul3A_10 = arith.muli %arg0, %mul3A_9 : i32
    %add3A_11 = arith.addi %mul3A_10, %mul3A_0 : i32
    "tpu.region"() ({
      %run_scoped3A = tpu.sem_alloc : memref<!tpu.dma_semaphore, #tpu.memory_space<semaphore_mem>>
      %dma_start3A = arith.constant 0 : i32
      %dma_start3A_12 = tpu.memref_slice %arg5[%add3A_11, %dma_start3A] : memref<20224x128xf32, #tpu.memory_space<hbm>> -> memref<632x128xf32, #tpu.memory_space<hbm>>
      %dma_start3A_13 = arith.constant 0 : i32
      %dma_start3A_14 = tpu.memref_slice %arg9[%mul3A_0, %dma_start3A_13] : memref<10112x128xf32, #tpu.memory_space<vmem_shared>> -> memref<632x128xf32, #tpu.memory_space<vmem_shared>>
      tpu.enqueue_dma source(%dma_start3A_14 : memref<632x128xf32, #tpu.memory_space<vmem_shared>>) target(%dma_start3A_12 : memref<632x128xf32, #tpu.memory_space<hbm>>) target_semaphore(%run_scoped3A : memref<!tpu.dma_semaphore, #tpu.memory_space<semaphore_mem>>)
      %dma_wait3A = arith.constant 0 : i32
      %dma_wait3A_15 = tpu.memref_slice %arg5[%add3A_11, %dma_wait3A] : memref<20224x128xf32, #tpu.memory_space<hbm>> -> memref<632x128xf32, #tpu.memory_space<hbm>>
      %dma_wait3A_16 = arith.constant 0 : i32
      %dma_wait3A_17 = tpu.memref_slice %arg9[%mul3A_0, %dma_wait3A_16] : memref<10112x128xf32, #tpu.memory_space<vmem_shared>> -> memref<632x128xf32, #tpu.memory_space<vmem_shared>>
      tpu.wait_dma2 semaphore(%run_scoped3A : memref<!tpu.dma_semaphore, #tpu.memory_space<semaphore_mem>>) src(%dma_wait3A_17 : memref<632x128xf32, #tpu.memory_space<vmem_shared>>) dst(%dma_wait3A_15 : memref<632x128xf32, #tpu.memory_space<hbm>>)
      tpu.yield
    }) : () -> ()
    return
  }
}

#map = affine_map<(d0, d1) -> (0, 0)>
#map1 = affine_map<(d0, d1) -> (0, 0, 0, 0, 0)>
#map2 = affine_map<(d0, d1) -> (0, 0, 0, 0)>
module attributes {stable_mosaic.version = 14 : i64} {
  func.func @_spmm_fs(%arg0: i32, %arg1: i32, %arg2: memref<20224x128xf32, #tpu.memory_space<hbm>>, %arg3: memref<2x16x2x79x128xi32, #tpu.memory_space<hbm>>, %arg4: memref<16x2x79x128xi32, #tpu.memory_space<hbm>>, %arg5: memref<20224x128xf32, #tpu.memory_space<hbm>>, %arg6: memref<79x128xi32, #tpu.memory_space<vmem>>, %arg7: memref<79x128xi32, #tpu.memory_space<vmem>>, %arg8: memref<128x128xf32, #tpu.memory_space<vmem>>, %arg9: memref<10112x128xf32, #tpu.memory_space<vmem_shared>>, %arg10: memref<!tpu.dma_semaphore, #tpu.memory_space<semaphore_mem>>) attributes {dimension_semantics = [#tpu.dimension_semantics<core_parallel>, #tpu.dimension_semantics<subcore_parallel>], iteration_bounds = array<i64: 2, 16>, scalar_prefetch = 0 : i64, scratch_operands = 5 : i64, tpu.core_type = #tpu.core_type<sc_vector_subcore>, window_params = [{transform_indices = #map}, {transform_indices = #map1}, {transform_indices = #map2}, {transform_indices = #map}]} {
    %mul3A = arith.constant 632 : i32
    %mul3A_0 = arith.muli %arg1, %mul3A : i32
    %mul3A_1 = arith.constant 10112 : i32
    %mul3A_2 = arith.muli %arg0, %mul3A_1 : i32
    %add3A = arith.addi %mul3A_2, %mul3A_0 : i32
    "tpu.region"() ({
      %run_scoped3A = tpu.sem_alloc : memref<!tpu.dma_semaphore, #tpu.memory_space<semaphore_mem>>
      %dma_start3A = arith.constant 0 : i32
      %dma_start3A_12 = tpu.memref_slice %arg9[%mul3A_0, %dma_start3A] : memref<10112x128xf32, #tpu.memory_space<vmem_shared>> -> memref<632x128xf32, #tpu.memory_space<vmem_shared>>
      %dma_start3A_13 = arith.constant 0 : i32
      %dma_start3A_14 = tpu.memref_slice %arg2[%add3A, %dma_start3A_13] : memref<20224x128xf32, #tpu.memory_space<hbm>> -> memref<632x128xf32, #tpu.memory_space<hbm>>
      tpu.enqueue_dma source(%dma_start3A_14 : memref<632x128xf32, #tpu.memory_space<hbm>>) target(%dma_start3A_12 : memref<632x128xf32, #tpu.memory_space<vmem_shared>>) target_semaphore(%run_scoped3A : memref<!tpu.dma_semaphore, #tpu.memory_space<semaphore_mem>>)
      %dma_wait3A = arith.constant 0 : i32
      %dma_wait3A_15 = tpu.memref_slice %arg9[%mul3A_0, %dma_wait3A] : memref<10112x128xf32, #tpu.memory_space<vmem_shared>> -> memref<632x128xf32, #tpu.memory_space<vmem_shared>>
      %dma_wait3A_16 = arith.constant 0 : i32
      %dma_wait3A_17 = tpu.memref_slice %arg2[%add3A, %dma_wait3A_16] : memref<20224x128xf32, #tpu.memory_space<hbm>> -> memref<632x128xf32, #tpu.memory_space<hbm>>
      tpu.wait_dma2 semaphore(%run_scoped3A : memref<!tpu.dma_semaphore, #tpu.memory_space<semaphore_mem>>) src(%dma_wait3A_17 : memref<632x128xf32, #tpu.memory_space<hbm>>) dst(%dma_wait3A_15 : memref<632x128xf32, #tpu.memory_space<vmem_shared>>)
      tpu.yield
    }) : () -> ()
    %barrier3A = arith.constant 0 : index
    tpu.barrier barrier_id(%barrier3A)
    %scan3A = arith.constant 0 : i32
    %scan3A_3 = arith.constant 0 : i32
    %scan3A_4 = arith.constant 2 : i32
    %scan3A_5 = arith.addi %scan3A_3, %scan3A_4 : i32
    %scan3A_6 = arith.constant 1 : i32
    scf.for %scan3A_12 = %scan3A_3 to %scan3A_5 step %scan3A_6  : i32 {
      "tpu.region"() ({
        %run_scoped3A = tpu.sem_alloc : memref<!tpu.dma_semaphore, #tpu.memory_space<semaphore_mem>>
        %dma_start3A = arith.constant 0 : i32
        %dma_start3A_19 = arith.constant 0 : i32
        %dma_start3A_20 = tpu.memref_slice %arg3[%arg0, %arg1, %scan3A_12, %dma_start3A, %dma_start3A_19] : memref<2x16x2x79x128xi32, #tpu.memory_space<hbm>> -> memref<1x1x1x79x128xi32, #tpu.memory_space<hbm>>
        %dma_start3A_21 = tpu.memref_squeeze %dma_start3A_20 : memref<1x1x1x79x128xi32, #tpu.memory_space<hbm>> -> memref<79x128xi32, #tpu.memory_space<hbm>>
        %dma_start3A_22 = arith.constant 0 : i32
        %dma_start3A_23 = arith.constant 0 : i32
        %dma_start3A_24 = tpu.memref_slice %arg3[%arg0, %arg1, %scan3A_12, %dma_start3A_22, %dma_start3A_23] : memref<2x16x2x79x128xi32, #tpu.memory_space<hbm>> -> memref<1x1x1x79x128xi32, #tpu.memory_space<hbm>>
        %dma_start3A_25 = tpu.memref_squeeze %dma_start3A_24 : memref<1x1x1x79x128xi32, #tpu.memory_space<hbm>> -> memref<79x128xi32, #tpu.memory_space<hbm>>
        tpu.enqueue_dma source(%dma_start3A_25 : memref<79x128xi32, #tpu.memory_space<hbm>>) target(%arg6 : memref<79x128xi32, #tpu.memory_space<vmem>>) target_semaphore(%run_scoped3A : memref<!tpu.dma_semaphore, #tpu.memory_space<semaphore_mem>>)
        %dma_wait3A = arith.constant 0 : i32
        %dma_wait3A_26 = arith.constant 0 : i32
        %dma_wait3A_27 = tpu.memref_slice %arg3[%arg0, %arg1, %scan3A_12, %dma_wait3A, %dma_wait3A_26] : memref<2x16x2x79x128xi32, #tpu.memory_space<hbm>> -> memref<1x1x1x79x128xi32, #tpu.memory_space<hbm>>
        %dma_wait3A_28 = tpu.memref_squeeze %dma_wait3A_27 : memref<1x1x1x79x128xi32, #tpu.memory_space<hbm>> -> memref<79x128xi32, #tpu.memory_space<hbm>>
        %dma_wait3A_29 = arith.constant 0 : i32
        %dma_wait3A_30 = arith.constant 0 : i32
        %dma_wait3A_31 = tpu.memref_slice %arg3[%arg0, %arg1, %scan3A_12, %dma_wait3A_29, %dma_wait3A_30] : memref<2x16x2x79x128xi32, #tpu.memory_space<hbm>> -> memref<1x1x1x79x128xi32, #tpu.memory_space<hbm>>
        %dma_wait3A_32 = tpu.memref_squeeze %dma_wait3A_31 : memref<1x1x1x79x128xi32, #tpu.memory_space<hbm>> -> memref<79x128xi32, #tpu.memory_space<hbm>>
        tpu.wait_dma2 semaphore(%run_scoped3A : memref<!tpu.dma_semaphore, #tpu.memory_space<semaphore_mem>>) src(%dma_wait3A_32 : memref<79x128xi32, #tpu.memory_space<hbm>>) dst(%arg6 : memref<79x128xi32, #tpu.memory_space<vmem>>)
        tpu.yield
      }) : () -> ()
      "tpu.region"() ({
        %run_scoped3A = tpu.sem_alloc : memref<!tpu.dma_semaphore, #tpu.memory_space<semaphore_mem>>
        %dma_start3A = arith.constant 0 : i32
        %dma_start3A_19 = arith.constant 0 : i32
        %dma_start3A_20 = tpu.memref_slice %arg4[%arg1, %scan3A_12, %dma_start3A, %dma_start3A_19] : memref<16x2x79x128xi32, #tpu.memory_space<hbm>> -> memref<1x1x79x128xi32, #tpu.memory_space<hbm>>
        %dma_start3A_21 = tpu.memref_squeeze %dma_start3A_20 : memref<1x1x79x128xi32, #tpu.memory_space<hbm>> -> memref<79x128xi32, #tpu.memory_space<hbm>>
        %dma_start3A_22 = arith.constant 0 : i32
        %dma_start3A_23 = arith.constant 0 : i32
        %dma_start3A_24 = tpu.memref_slice %arg4[%arg1, %scan3A_12, %dma_start3A_22, %dma_start3A_23] : memref<16x2x79x128xi32, #tpu.memory_space<hbm>> -> memref<1x1x79x128xi32, #tpu.memory_space<hbm>>
        %dma_start3A_25 = tpu.memref_squeeze %dma_start3A_24 : memref<1x1x79x128xi32, #tpu.memory_space<hbm>> -> memref<79x128xi32, #tpu.memory_space<hbm>>
        tpu.enqueue_dma source(%dma_start3A_25 : memref<79x128xi32, #tpu.memory_space<hbm>>) target(%arg7 : memref<79x128xi32, #tpu.memory_space<vmem>>) target_semaphore(%run_scoped3A : memref<!tpu.dma_semaphore, #tpu.memory_space<semaphore_mem>>)
        %dma_wait3A = arith.constant 0 : i32
        %dma_wait3A_26 = arith.constant 0 : i32
        %dma_wait3A_27 = tpu.memref_slice %arg4[%arg1, %scan3A_12, %dma_wait3A, %dma_wait3A_26] : memref<16x2x79x128xi32, #tpu.memory_space<hbm>> -> memref<1x1x79x128xi32, #tpu.memory_space<hbm>>
        %dma_wait3A_28 = tpu.memref_squeeze %dma_wait3A_27 : memref<1x1x79x128xi32, #tpu.memory_space<hbm>> -> memref<79x128xi32, #tpu.memory_space<hbm>>
        %dma_wait3A_29 = arith.constant 0 : i32
        %dma_wait3A_30 = arith.constant 0 : i32
        %dma_wait3A_31 = tpu.memref_slice %arg4[%arg1, %scan3A_12, %dma_wait3A_29, %dma_wait3A_30] : memref<16x2x79x128xi32, #tpu.memory_space<hbm>> -> memref<1x1x79x128xi32, #tpu.memory_space<hbm>>
        %dma_wait3A_32 = tpu.memref_squeeze %dma_wait3A_31 : memref<1x1x79x128xi32, #tpu.memory_space<hbm>> -> memref<79x128xi32, #tpu.memory_space<hbm>>
        tpu.wait_dma2 semaphore(%run_scoped3A : memref<!tpu.dma_semaphore, #tpu.memory_space<semaphore_mem>>) src(%dma_wait3A_32 : memref<79x128xi32, #tpu.memory_space<hbm>>) dst(%arg7 : memref<79x128xi32, #tpu.memory_space<vmem>>)
        tpu.yield
      }) : () -> ()
      %scan3A_13 = arith.constant 0 : i32
      %scan3A_14 = arith.constant 0 : i32
      %scan3A_15 = arith.constant 79 : i32
      %scan3A_16 = arith.addi %scan3A_14, %scan3A_15 : i32
      %scan3A_17 = arith.constant 1 : i32
      scf.for %scan3A_19 = %scan3A_14 to %scan3A_16 step %scan3A_17  : i32 {
        %dma_start3A = arith.constant 0 : i32
        %dma_start3A_20 = tpu.memref_slice %arg6[%scan3A_19, %dma_start3A] : memref<79x128xi32, #tpu.memory_space<vmem>> -> memref<1x128xi32, #tpu.memory_space<vmem>>
        %dma_start3A_21 = tpu.memref_squeeze %dma_start3A_20 : memref<1x128xi32, #tpu.memory_space<vmem>> -> memref<128xi32, #tpu.memory_space<vmem>>
        %dma_start3A_22 = arith.constant 0 : i32
        %dma_start3A_23 = arith.constant 0 : i32
        %dma_start3A_24 = tpu.memref_slice %arg2[%dma_start3A_22, %dma_start3A_23] : memref<20224x128xf32, #tpu.memory_space<hbm>> -> memref<20224x128xf32, #tpu.memory_space<hbm>>
        tpu.enqueue_indirect_dma source(%dma_start3A_24 : memref<20224x128xf32, #tpu.memory_space<hbm>>) target(%arg8 : memref<128x128xf32, #tpu.memory_space<vmem>>) offsets(%dma_start3A_21 : memref<128xi32, #tpu.memory_space<vmem>>) semaphore(%arg10 : memref<!tpu.dma_semaphore, #tpu.memory_space<semaphore_mem>>)
        %dma_wait3A = arith.constant 0 : i32
        %dma_wait3A_25 = tpu.memref_slice %arg6[%scan3A_19, %dma_wait3A] : memref<79x128xi32, #tpu.memory_space<vmem>> -> memref<1x128xi32, #tpu.memory_space<vmem>>
        %dma_wait3A_26 = tpu.memref_squeeze %dma_wait3A_25 : memref<1x128xi32, #tpu.memory_space<vmem>> -> memref<128xi32, #tpu.memory_space<vmem>>
        %dma_wait3A_27 = arith.constant 0 : i32
        %dma_wait3A_28 = arith.constant 0 : i32
        %dma_wait3A_29 = tpu.memref_slice %arg2[%dma_wait3A_27, %dma_wait3A_28] : memref<20224x128xf32, #tpu.memory_space<hbm>> -> memref<20224x128xf32, #tpu.memory_space<hbm>>
        tpu.wait_indirect_dma semaphore(%arg10 : memref<!tpu.dma_semaphore, #tpu.memory_space<semaphore_mem>>) src(%dma_wait3A_29 : memref<20224x128xf32, #tpu.memory_space<hbm>>) dst(%arg8 : memref<128x128xf32, #tpu.memory_space<vmem>>)
        "tpu.region"() ({
          %run_scoped3A = tpu.sem_alloc : memref<!tpu.dma_semaphore, #tpu.memory_space<semaphore_mem>>
          %dma_start3A_30 = arith.constant 0 : i32
          %dma_start3A_31 = tpu.memref_slice %arg7[%scan3A_19, %dma_start3A_30] : memref<79x128xi32, #tpu.memory_space<vmem>> -> memref<1x128xi32, #tpu.memory_space<vmem>>
          %dma_start3A_32 = tpu.memref_squeeze %dma_start3A_31 : memref<1x128xi32, #tpu.memory_space<vmem>> -> memref<128xi32, #tpu.memory_space<vmem>>
          %dma_start3A_33 = arith.constant 0 : i32
          %dma_start3A_34 = arith.constant 0 : i32
          %dma_start3A_35 = tpu.memref_slice %arg9[%dma_start3A_33, %dma_start3A_34] : memref<10112x128xf32, #tpu.memory_space<vmem_shared>> -> memref<10112x128xf32, #tpu.memory_space<vmem_shared>>
          tpu.enqueue_indirect_dma source(%arg8 : memref<128x128xf32, #tpu.memory_space<vmem>>) target(%dma_start3A_35 : memref<10112x128xf32, #tpu.memory_space<vmem_shared>>) offsets(%dma_start3A_32 : memref<128xi32, #tpu.memory_space<vmem>>) semaphore(%run_scoped3A : memref<!tpu.dma_semaphore, #tpu.memory_space<semaphore_mem>>) {add = true}
          %dma_wait3A_36 = arith.constant 0 : i32
          %dma_wait3A_37 = tpu.memref_slice %arg7[%scan3A_19, %dma_wait3A_36] : memref<79x128xi32, #tpu.memory_space<vmem>> -> memref<1x128xi32, #tpu.memory_space<vmem>>
          %dma_wait3A_38 = tpu.memref_squeeze %dma_wait3A_37 : memref<1x128xi32, #tpu.memory_space<vmem>> -> memref<128xi32, #tpu.memory_space<vmem>>
          %dma_wait3A_39 = arith.constant 0 : i32
          %dma_wait3A_40 = arith.constant 0 : i32
          %dma_wait3A_41 = tpu.memref_slice %arg9[%dma_wait3A_39, %dma_wait3A_40] : memref<10112x128xf32, #tpu.memory_space<vmem_shared>> -> memref<10112x128xf32, #tpu.memory_space<vmem_shared>>
          tpu.wait_indirect_dma semaphore(%run_scoped3A : memref<!tpu.dma_semaphore, #tpu.memory_space<semaphore_mem>>) src(%arg8 : memref<128x128xf32, #tpu.memory_space<vmem>>) dst(%dma_wait3A_41 : memref<10112x128xf32, #tpu.memory_space<vmem_shared>>)
          tpu.yield
        }) : () -> ()
      }
      %scan3A_18 = arith.constant 79 : i32
    }
    %scan3A_7 = arith.constant 2 : i32
    %barrier3A_8 = arith.constant 0 : index
    tpu.barrier barrier_id(%barrier3A_8)
    %mul3A_9 = arith.constant 10112 : i32
    %mul3A_10 = arith.muli %arg0, %mul3A_9 : i32
    %add3A_11 = arith.addi %mul3A_10, %mul3A_0 : i32
    "tpu.region"() ({
      %run_scoped3A = tpu.sem_alloc : memref<!tpu.dma_semaphore, #tpu.memory_space<semaphore_mem>>
      %dma_start3A = arith.constant 0 : i32
      %dma_start3A_12 = tpu.memref_slice %arg5[%add3A_11, %dma_start3A] : memref<20224x128xf32, #tpu.memory_space<hbm>> -> memref<632x128xf32, #tpu.memory_space<hbm>>
      %dma_start3A_13 = arith.constant 0 : i32
      %dma_start3A_14 = tpu.memref_slice %arg9[%mul3A_0, %dma_start3A_13] : memref<10112x128xf32, #tpu.memory_space<vmem_shared>> -> memref<632x128xf32, #tpu.memory_space<vmem_shared>>
      tpu.enqueue_dma source(%dma_start3A_14 : memref<632x128xf32, #tpu.memory_space<vmem_shared>>) target(%dma_start3A_12 : memref<632x128xf32, #tpu.memory_space<hbm>>) target_semaphore(%run_scoped3A : memref<!tpu.dma_semaphore, #tpu.memory_space<semaphore_mem>>)
      %dma_wait3A = arith.constant 0 : i32
      %dma_wait3A_15 = tpu.memref_slice %arg5[%add3A_11, %dma_wait3A] : memref<20224x128xf32, #tpu.memory_space<hbm>> -> memref<632x128xf32, #tpu.memory_space<hbm>>
      %dma_wait3A_16 = arith.constant 0 : i32
      %dma_wait3A_17 = tpu.memref_slice %arg9[%mul3A_0, %dma_wait3A_16] : memref<10112x128xf32, #tpu.memory_space<vmem_shared>> -> memref<632x128xf32, #tpu.memory_space<vmem_shared>>
      tpu.wait_dma2 semaphore(%run_scoped3A : memref<!tpu.dma_semaphore, #tpu.memory_space<semaphore_mem>>) src(%dma_wait3A_17 : memref<632x128xf32, #tpu.memory_space<vmem_shared>>) dst(%dma_wait3A_15 : memref<632x128xf32, #tpu.memory_space<hbm>>)
      tpu.yield
    }) : () -> ()
    return
  }
}

module attributes {stable_mosaic.version = 14 : i64} {
  func.func @_scale_kernel(%arg0: i32, %arg1: memref<632x128xf32, #tpu.memory_space<vmem>>, %arg2: memref<632x128xf32, #tpu.memory_space<vmem>>, %arg3: memref<632x128xf32, #tpu.memory_space<vmem>>, %arg4: memref<632x128xf32, #tpu.memory_space<vmem>>, %arg5: memref<632x8xf32, #tpu.memory_space<vmem>>) attributes {dimension_semantics = [#tpu.dimension_semantics<arbitrary>], iteration_bounds = array<i64: 32>, scalar_prefetch = 0 : i64, scratch_operands = 0 : i64, tpu.core_type = #tpu.core_type<tc>, window_params = [{transform_indices = @transform_0, window_bounds = array<i64: 632, 128>}, {transform_indices = @transform_1, window_bounds = array<i64: 632, 128>}, {transform_indices = @transform_2, window_bounds = array<i64: 632, 128>}, {transform_indices = @transform_3, window_bounds = array<i64: 632, 128>}, {transform_indices = @transform_4, window_bounds = array<i64: 632, 8>}]} {
    %get3A = arith.constant 0 : index
    %get3A_0 = arith.constant 0 : index
    %get3A_1 = vector.load %arg1[%get3A, %get3A_0] : memref<632x128xf32, #tpu.memory_space<vmem>>, vector<632x1xf32>
    %get3A_2 = arith.constant 0 : index
    %get3A_3 = arith.constant 0 : index
    %get3A_4 = vector.load %arg2[%get3A_2, %get3A_3] : memref<632x128xf32, #tpu.memory_space<vmem>>, vector<632x1xf32>
    %add3A = arith.addf %get3A_1, %get3A_4 : vector<632x1xf32>
    %add3A_5 = arith.constant 1.000000e+00 : f32
    %add3A_6 = vector.broadcast %add3A_5 : f32 to vector<632x1xf32>
    %add3A_7 = arith.addf %add3A, %add3A_6 : vector<632x1xf32>
    %rsqrt3A = math.rsqrt %add3A_7 : vector<632x1xf32>
    %get3A_8 = arith.constant 0 : index
    %get3A_9 = arith.constant 0 : index
    %get3A_10 = vector.load %arg3[%get3A_8, %get3A_9] : memref<632x128xf32, #tpu.memory_space<vmem>>, vector<632x128xf32>
    %mul3A = vector.broadcast %rsqrt3A : vector<632x1xf32> to vector<632x128xf32>
    %mul3A_11 = arith.mulf %mul3A, %get3A_10 : vector<632x128xf32>
    %swap3A = arith.constant 0 : index
    %swap3A_12 = arith.constant 0 : index
    %swap3A_13 = vector.load %arg4[%swap3A, %swap3A_12] : memref<632x128xf32, #tpu.memory_space<vmem>>, vector<632x128xf32>
    tpu.vector_store %arg4[%swap3A, %swap3A_12], %mul3A_11 {strides = array<i32>} : memref<632x128xf32, #tpu.memory_space<vmem>>, vector<632x128xf32>,
    %broadcast_in_dim3A = vector.shape_cast %rsqrt3A : vector<632x1xf32> to vector<632x1xf32>
    %broadcast_in_dim3A_14 = vector.broadcast %broadcast_in_dim3A : vector<632x1xf32> to vector<632x8xf32>
    %swap3A_15 = arith.constant 0 : index
    %swap3A_16 = arith.constant 0 : index
    %swap3A_17 = vector.load %arg5[%swap3A_15, %swap3A_16] : memref<632x8xf32, #tpu.memory_space<vmem>>, vector<632x8xf32>
    tpu.vector_store %arg5[%swap3A_15, %swap3A_16], %broadcast_in_dim3A_14 {strides = array<i32>} : memref<632x8xf32, #tpu.memory_space<vmem>>, vector<632x8xf32>,
    return
  }
  func.func @transform_0(%arg0: i32) -> (i32, i32) {
    %jit3A = arith.constant 16 : i32
    %eq3A = arith.constant 0 : i32
    %eq3A_0 = arith.cmpi eq, %jit3A, %eq3A : i32
    %jit3A_1 = arith.constant 1 : i32
    %select_n3A = arith.select %eq3A_0, %jit3A_1, %jit3A : i32
    %rem3A = arith.remsi %arg0, %select_n3A : i32
    %ne3A = arith.constant 0 : i32
    %ne3A_2 = arith.cmpi ne, %rem3A, %ne3A : i32
    %lt3A = arith.constant 0 : i32
    %lt3A_3 = arith.cmpi slt, %rem3A, %lt3A : i32
    %lt3A_4 = arith.constant 0 : i32
    %lt3A_5 = arith.cmpi slt, %select_n3A, %lt3A_4 : i32
    %ne3A_6 = arith.xori %lt3A_3, %lt3A_5 : i1
    %and3A = arith.andi %ne3A_6, %ne3A_2 : i1
    %add3A = arith.addi %rem3A, %select_n3A : i32
    %select_n3A_7 = arith.select %and3A, %add3A, %rem3A : i32
    %c0_i32 = arith.constant 0 : i32
    %c0_i32_8 = arith.constant 0 : i32
    return %select_n3A_7, %c0_i32 : i32, i32
  }
  func.func @transform_1(%arg0: i32) -> (i32, i32) {
    %jit3A = arith.constant 16 : i32
    %eq3A = arith.constant 0 : i32
    %eq3A_0 = arith.cmpi eq, %jit3A, %eq3A : i32
    %jit3A_1 = arith.constant 1 : i32
    %select_n3A = arith.select %eq3A_0, %jit3A_1, %jit3A : i32
    %rem3A = arith.remsi %arg0, %select_n3A : i32
    %ne3A = arith.constant 0 : i32
    %ne3A_2 = arith.cmpi ne, %rem3A, %ne3A : i32
    %lt3A = arith.constant 0 : i32
    %lt3A_3 = arith.cmpi slt, %rem3A, %lt3A : i32
    %lt3A_4 = arith.constant 0 : i32
    %lt3A_5 = arith.cmpi slt, %select_n3A, %lt3A_4 : i32
    %ne3A_6 = arith.xori %lt3A_3, %lt3A_5 : i1
    %and3A = arith.andi %ne3A_6, %ne3A_2 : i1
    %add3A = arith.addi %rem3A, %select_n3A : i32
    %select_n3A_7 = arith.select %and3A, %add3A, %rem3A : i32
    %add3A_8 = arith.constant 16 : i32
    %add3A_9 = arith.addi %add3A_8, %select_n3A_7 : i32
    %c0_i32 = arith.constant 0 : i32
    %c0_i32_10 = arith.constant 0 : i32
    return %add3A_9, %c0_i32 : i32, i32
  }
  func.func @transform_2(%arg0: i32) -> (i32, i32) {
    %jit3A = arith.constant 16 : i32
    %eq3A = arith.constant 0 : i32
    %eq3A_0 = arith.cmpi eq, %jit3A, %eq3A : i32
    %jit3A_1 = arith.constant 1 : i32
    %select_n3A = arith.select %eq3A_0, %jit3A_1, %jit3A : i32
    %rem3A = arith.remsi %arg0, %select_n3A : i32
    %ne3A = arith.constant 0 : i32
    %ne3A_2 = arith.cmpi ne, %rem3A, %ne3A : i32
    %lt3A = arith.constant 0 : i32
    %lt3A_3 = arith.cmpi slt, %rem3A, %lt3A : i32
    %lt3A_4 = arith.constant 0 : i32
    %lt3A_5 = arith.cmpi slt, %select_n3A, %lt3A_4 : i32
    %ne3A_6 = arith.xori %lt3A_3, %lt3A_5 : i1
    %and3A = arith.andi %ne3A_6, %ne3A_2 : i1
    %add3A = arith.addi %rem3A, %select_n3A : i32
    %select_n3A_7 = arith.select %and3A, %add3A, %rem3A : i32
    %c0_i32 = arith.constant 0 : i32
    %c0_i32_8 = arith.constant 0 : i32
    return %select_n3A_7, %c0_i32 : i32, i32
  }
  func.func @transform_3(%arg0: i32) -> (i32, i32) {
    %c0_i32 = arith.constant 0 : i32
    %c0_i32_0 = arith.constant 0 : i32
    return %arg0, %c0_i32 : i32, i32
  }
  func.func @transform_4(%arg0: i32) -> (i32, i32) {
    %jit3A = arith.constant 16 : i32
    %eq3A = arith.constant 0 : i32
    %eq3A_0 = arith.cmpi eq, %jit3A, %eq3A : i32
    %jit3A_1 = arith.constant 1 : i32
    %select_n3A = arith.select %eq3A_0, %jit3A_1, %jit3A : i32
    %rem3A = arith.remsi %arg0, %select_n3A : i32
    %ne3A = arith.constant 0 : i32
    %ne3A_2 = arith.cmpi ne, %rem3A, %ne3A : i32
    %lt3A = arith.constant 0 : i32
    %lt3A_3 = arith.cmpi slt, %rem3A, %lt3A : i32
    %lt3A_4 = arith.constant 0 : i32
    %lt3A_5 = arith.cmpi slt, %select_n3A, %lt3A_4 : i32
    %ne3A_6 = arith.xori %lt3A_3, %lt3A_5 : i1
    %and3A = arith.andi %ne3A_6, %ne3A_2 : i1
    %add3A = arith.addi %rem3A, %select_n3A : i32
    %select_n3A_7 = arith.select %and3A, %add3A, %rem3A : i32
    %c0_i32 = arith.constant 0 : i32
    %c0_i32_8 = arith.constant 0 : i32
    return %select_n3A_7, %c0_i32 : i32, i32
  }
}

module attributes {stable_mosaic.version = 14 : i64} {
  func.func @_layer_es_kernel(%arg0: i32, %arg1: memref<632x8xf32, #tpu.memory_space<vmem>>, %arg2: memref<632x128xf32, #tpu.memory_space<vmem>>, %arg3: memref<632x128xf32, #tpu.memory_space<vmem>>, %arg4: memref<128x256xf32, #tpu.memory_space<vmem>>, %arg5: memref<1x256xf32, #tpu.memory_space<vmem>>, %arg6: memref<632x128xf32, #tpu.memory_space<vmem>>) attributes {dimension_semantics = [#tpu.dimension_semantics<arbitrary>], iteration_bounds = array<i64: 32>, scalar_prefetch = 0 : i64, scratch_operands = 0 : i64, tpu.core_type = #tpu.core_type<tc>, window_params = [{transform_indices = @transform_0, window_bounds = array<i64: 632, 8>}, {transform_indices = @transform_1, window_bounds = array<i64: 632, 128>}, {transform_indices = @transform_2, window_bounds = array<i64: 632, 128>}, {pipeline_mode = #tpu.pipeline_mode<synchronous>, transform_indices = @transform_3, window_bounds = array<i64: 128, 256>}, {pipeline_mode = #tpu.pipeline_mode<synchronous>, transform_indices = @transform_4, window_bounds = array<i64: 1, 256>}, {transform_indices = @transform_5, window_bounds = array<i64: 632, 128>}]} {
    %jit3A = arith.constant 16 : i32
    %div3A = arith.divsi %arg0, %jit3A : i32
    %sign3A = arith.constant 0 : i32
    %sign3A_0 = arith.cmpi sgt, %arg0, %sign3A : i32
    %sign3A_1 = arith.extui %sign3A_0 : i1 to i32
    %sign3A_2 = arith.constant 0 : i32
    %sign3A_3 = arith.cmpi slt, %arg0, %sign3A_2 : i32
    %sign3A_4 = arith.extui %sign3A_3 : i1 to i32
    %sign3A_5 = arith.subi %sign3A_1, %sign3A_4 : i32
    %sign3A_6 = arith.constant 0 : i32
    %sign3A_7 = arith.cmpi sgt, %jit3A, %sign3A_6 : i32
    %sign3A_8 = arith.extui %sign3A_7 : i1 to i32
    %sign3A_9 = arith.constant 0 : i32
    %sign3A_10 = arith.cmpi slt, %jit3A, %sign3A_9 : i32
    %sign3A_11 = arith.extui %sign3A_10 : i1 to i32
    %sign3A_12 = arith.subi %sign3A_8, %sign3A_11 : i32
    %ne3A = arith.cmpi ne, %sign3A_5, %sign3A_12 : i32
    %rem3A = arith.remsi %arg0, %jit3A : i32
    %ne3A_13 = arith.constant 0 : i32
    %ne3A_14 = arith.cmpi ne, %rem3A, %ne3A_13 : i32
    %and3A = arith.andi %ne3A, %ne3A_14 : i1
    %sub3A = arith.constant 1 : i32
    %sub3A_15 = arith.subi %div3A, %sub3A : i32
    %select_n3A = arith.select %and3A, %sub3A_15, %div3A : i32
    %get3A = arith.constant 0 : index
    %get3A_16 = arith.constant 0 : index
    %get3A_17 = vector.load %arg1[%get3A, %get3A_16] : memref<632x8xf32, #tpu.memory_space<vmem>>, vector<632x1xf32>
    %get3A_18 = arith.constant 0 : index
    %get3A_19 = arith.constant 0 : index
    %get3A_20 = vector.load %arg2[%get3A_18, %get3A_19] : memref<632x128xf32, #tpu.memory_space<vmem>>, vector<632x128xf32>
    %get3A_21 = arith.constant 0 : index
    %get3A_22 = arith.constant 0 : index
    %get3A_23 = vector.load %arg3[%get3A_21, %get3A_22] : memref<632x128xf32, #tpu.memory_space<vmem>>, vector<632x128xf32>
    %add3A = arith.addf %get3A_20, %get3A_23 : vector<632x128xf32>
    %mul3A = vector.broadcast %get3A_17 : vector<632x1xf32> to vector<632x128xf32>
    %mul3A_24 = arith.mulf %mul3A, %add3A : vector<632x128xf32>
    %get3A_25 = arith.constant 0 : index
    %get3A_26 = arith.constant 0 : index
    %get3A_27 = vector.load %arg4[%get3A_25, %get3A_26] : memref<128x256xf32, #tpu.memory_space<vmem>>, vector<128x256xf32>
    %dot_general3A = arith.constant dense<0.000000e+00> : vector<632x256xf32>
    %dot_general3A_28 = tpu.matmul %mul3A_24, %get3A_27, %dot_general3A {dimension_numbers = #tpu.dot_dimension_numbers<[1], [0], [0], [1], [0, 0, 1, 1], [], []>, transpose_lhs_hint = false} : vector<632x128xf32>, vector<128x256xf32>, vector<632x256xf32> -> vector<632x256xf32>
    %get3A_29 = arith.constant 0 : index
    %get3A_30 = arith.constant 0 : index
    %get3A_31 = vector.load %arg5[%get3A_29, %get3A_30] : memref<1x256xf32, #tpu.memory_space<vmem>>, vector<1x256xf32>
    %add3A_32 = vector.broadcast %get3A_31 : vector<1x256xf32> to vector<632x256xf32>
    %add3A_33 = arith.addf %dot_general3A_28, %add3A_32 : vector<632x256xf32>
    %max3A = arith.constant 0.000000e+00 : f32
    %max3A_34 = vector.broadcast %max3A : f32 to vector<632x256xf32>
    %max3A_35 = arith.maximumf %add3A_33, %max3A_34 : vector<632x256xf32>
    %mul3A_36 = vector.broadcast %get3A_17 : vector<632x1xf32> to vector<632x256xf32>
    %mul3A_37 = arith.mulf %mul3A_36, %max3A_35 : vector<632x256xf32>
    %eq3A = arith.constant 0 : i32
    %eq3A_38 = arith.cmpi eq, %select_n3A, %eq3A : i32
    %slice3A = vector.extract_strided_slice %mul3A_37 {offsets = [0, 0], sizes = [632, 128], strides = [1, 1]} : vector<632x256xf32> to vector<632x128xf32>
    %slice3A_39 = vector.extract_strided_slice %mul3A_37 {offsets = [0, 128], sizes = [632, 128], strides = [1, 1]} : vector<632x256xf32> to vector<632x128xf32>
    %select_n3A_40 = arith.select %eq3A_38, %slice3A, %slice3A_39 : vector<632x128xf32>
    %swap3A = arith.constant 0 : index
    %swap3A_41 = arith.constant 0 : index
    %swap3A_42 = vector.load %arg6[%swap3A, %swap3A_41] : memref<632x128xf32, #tpu.memory_space<vmem>>, vector<632x128xf32>
    tpu.vector_store %arg6[%swap3A, %swap3A_41], %select_n3A_40 {strides = array<i32>} : memref<632x128xf32, #tpu.memory_space<vmem>>, vector<632x128xf32>,
    return
  }
  func.func @transform_0(%arg0: i32) -> (i32, i32) {
    %jit3A = arith.constant 16 : i32
    %eq3A = arith.constant 0 : i32
    %eq3A_0 = arith.cmpi eq, %jit3A, %eq3A : i32
    %jit3A_1 = arith.constant 1 : i32
    %select_n3A = arith.select %eq3A_0, %jit3A_1, %jit3A : i32
    %rem3A = arith.remsi %arg0, %select_n3A : i32
    %ne3A = arith.constant 0 : i32
    %ne3A_2 = arith.cmpi ne, %rem3A, %ne3A : i32
    %lt3A = arith.constant 0 : i32
    %lt3A_3 = arith.cmpi slt, %rem3A, %lt3A : i32
    %lt3A_4 = arith.constant 0 : i32
    %lt3A_5 = arith.cmpi slt, %select_n3A, %lt3A_4 : i32
    %ne3A_6 = arith.xori %lt3A_3, %lt3A_5 : i1
    %and3A = arith.andi %ne3A_6, %ne3A_2 : i1
    %add3A = arith.addi %rem3A, %select_n3A : i32
    %select_n3A_7 = arith.select %and3A, %add3A, %rem3A : i32
    %c0_i32 = arith.constant 0 : i32
    %c0_i32_8 = arith.constant 0 : i32
    return %select_n3A_7, %c0_i32 : i32, i32
  }
  func.func @transform_1(%arg0: i32) -> (i32, i32) {
    %jit3A = arith.constant 16 : i32
    %eq3A = arith.constant 0 : i32
    %eq3A_0 = arith.cmpi eq, %jit3A, %eq3A : i32
    %jit3A_1 = arith.constant 1 : i32
    %select_n3A = arith.select %eq3A_0, %jit3A_1, %jit3A : i32
    %rem3A = arith.remsi %arg0, %select_n3A : i32
    %ne3A = arith.constant 0 : i32
    %ne3A_2 = arith.cmpi ne, %rem3A, %ne3A : i32
    %lt3A = arith.constant 0 : i32
    %lt3A_3 = arith.cmpi slt, %rem3A, %lt3A : i32
    %lt3A_4 = arith.constant 0 : i32
    %lt3A_5 = arith.cmpi slt, %select_n3A, %lt3A_4 : i32
    %ne3A_6 = arith.xori %lt3A_3, %lt3A_5 : i1
    %and3A = arith.andi %ne3A_6, %ne3A_2 : i1
    %add3A = arith.addi %rem3A, %select_n3A : i32
    %select_n3A_7 = arith.select %and3A, %add3A, %rem3A : i32
    %c0_i32 = arith.constant 0 : i32
    %c0_i32_8 = arith.constant 0 : i32
    return %select_n3A_7, %c0_i32 : i32, i32
  }
  func.func @transform_2(%arg0: i32) -> (i32, i32) {
    %jit3A = arith.constant 16 : i32
    %eq3A = arith.constant 0 : i32
    %eq3A_0 = arith.cmpi eq, %jit3A, %eq3A : i32
    %jit3A_1 = arith.constant 1 : i32
    %select_n3A = arith.select %eq3A_0, %jit3A_1, %jit3A : i32
    %rem3A = arith.remsi %arg0, %select_n3A : i32
    %ne3A = arith.constant 0 : i32
    %ne3A_2 = arith.cmpi ne, %rem3A, %ne3A : i32
    %lt3A = arith.constant 0 : i32
    %lt3A_3 = arith.cmpi slt, %rem3A, %lt3A : i32
    %lt3A_4 = arith.constant 0 : i32
    %lt3A_5 = arith.cmpi slt, %select_n3A, %lt3A_4 : i32
    %ne3A_6 = arith.xori %lt3A_3, %lt3A_5 : i1
    %and3A = arith.andi %ne3A_6, %ne3A_2 : i1
    %add3A = arith.addi %rem3A, %select_n3A : i32
    %select_n3A_7 = arith.select %and3A, %add3A, %rem3A : i32
    %add3A_8 = arith.constant 16 : i32
    %add3A_9 = arith.addi %add3A_8, %select_n3A_7 : i32
    %c0_i32 = arith.constant 0 : i32
    %c0_i32_10 = arith.constant 0 : i32
    return %add3A_9, %c0_i32 : i32, i32
  }
  func.func @transform_3(%arg0: i32) -> (i32, i32) {
    %c0_i32 = arith.constant 0 : i32
    %c0_i32_0 = arith.constant 0 : i32
    %c0_i32_1 = arith.constant 0 : i32
    return %c0_i32, %c0_i32_0 : i32, i32
  }
  func.func @transform_4(%arg0: i32) -> (i32, i32) {
    %c0_i32 = arith.constant 0 : i32
    %c0_i32_0 = arith.constant 0 : i32
    %c0_i32_1 = arith.constant 0 : i32
    return %c0_i32, %c0_i32_0 : i32, i32
  }
  func.func @transform_5(%arg0: i32) -> (i32, i32) {
    %c0_i32 = arith.constant 0 : i32
    %c0_i32_0 = arith.constant 0 : i32
    return %arg0, %c0_i32 : i32, i32
  }
}

module attributes {stable_mosaic.version = 14 : i64} {
  func.func @_layer_fs_kernel(%arg0: i32, %arg1: memref<632x8xf32, #tpu.memory_space<vmem>>, %arg2: memref<632x128xf32, #tpu.memory_space<vmem>>, %arg3: memref<632x128xf32, #tpu.memory_space<vmem>>, %arg4: memref<256x256xf32, #tpu.memory_space<vmem>>, %arg5: memref<1x256xf32, #tpu.memory_space<vmem>>, %arg6: memref<632x128xf32, #tpu.memory_space<vmem>>) attributes {dimension_semantics = [#tpu.dimension_semantics<arbitrary>], iteration_bounds = array<i64: 32>, scalar_prefetch = 0 : i64, scratch_operands = 0 : i64, tpu.core_type = #tpu.core_type<tc>, window_params = [{transform_indices = @transform_0, window_bounds = array<i64: 632, 8>}, {transform_indices = @transform_1, window_bounds = array<i64: 632, 128>}, {transform_indices = @transform_2, window_bounds = array<i64: 632, 128>}, {pipeline_mode = #tpu.pipeline_mode<synchronous>, transform_indices = @transform_3, window_bounds = array<i64: 256, 256>}, {pipeline_mode = #tpu.pipeline_mode<synchronous>, transform_indices = @transform_4, window_bounds = array<i64: 1, 256>}, {transform_indices = @transform_5, window_bounds = array<i64: 632, 128>}]} {
    %jit3A = arith.constant 16 : i32
    %div3A = arith.divsi %arg0, %jit3A : i32
    %sign3A = arith.constant 0 : i32
    %sign3A_0 = arith.cmpi sgt, %arg0, %sign3A : i32
    %sign3A_1 = arith.extui %sign3A_0 : i1 to i32
    %sign3A_2 = arith.constant 0 : i32
    %sign3A_3 = arith.cmpi slt, %arg0, %sign3A_2 : i32
    %sign3A_4 = arith.extui %sign3A_3 : i1 to i32
    %sign3A_5 = arith.subi %sign3A_1, %sign3A_4 : i32
    %sign3A_6 = arith.constant 0 : i32
    %sign3A_7 = arith.cmpi sgt, %jit3A, %sign3A_6 : i32
    %sign3A_8 = arith.extui %sign3A_7 : i1 to i32
    %sign3A_9 = arith.constant 0 : i32
    %sign3A_10 = arith.cmpi slt, %jit3A, %sign3A_9 : i32
    %sign3A_11 = arith.extui %sign3A_10 : i1 to i32
    %sign3A_12 = arith.subi %sign3A_8, %sign3A_11 : i32
    %ne3A = arith.cmpi ne, %sign3A_5, %sign3A_12 : i32
    %rem3A = arith.remsi %arg0, %jit3A : i32
    %ne3A_13 = arith.constant 0 : i32
    %ne3A_14 = arith.cmpi ne, %rem3A, %ne3A_13 : i32
    %and3A = arith.andi %ne3A, %ne3A_14 : i1
    %sub3A = arith.constant 1 : i32
    %sub3A_15 = arith.subi %div3A, %sub3A : i32
    %select_n3A = arith.select %and3A, %sub3A_15, %div3A : i32
    %get3A = arith.constant 0 : index
    %get3A_16 = arith.constant 0 : index
    %get3A_17 = vector.load %arg1[%get3A, %get3A_16] : memref<632x8xf32, #tpu.memory_space<vmem>>, vector<632x1xf32>
    %get3A_18 = arith.constant 0 : index
    %get3A_19 = arith.constant 0 : index
    %get3A_20 = vector.load %arg2[%get3A_18, %get3A_19] : memref<632x128xf32, #tpu.memory_space<vmem>>, vector<632x128xf32>
    %get3A_21 = arith.constant 0 : index
    %get3A_22 = arith.constant 0 : index
    %get3A_23 = vector.load %arg3[%get3A_21, %get3A_22] : memref<632x128xf32, #tpu.memory_space<vmem>>, vector<632x128xf32>
    %concatenate3A = tpu.concatenate %get3A_20, %get3A_23 in 1 : vector<632x128xf32>, vector<632x128xf32> -> vector<632x256xf32>
    %mul3A = vector.broadcast %get3A_17 : vector<632x1xf32> to vector<632x256xf32>
    %mul3A_24 = arith.mulf %mul3A, %concatenate3A : vector<632x256xf32>
    %get3A_25 = arith.constant 0 : index
    %get3A_26 = arith.constant 0 : index
    %get3A_27 = vector.load %arg4[%get3A_25, %get3A_26] : memref<256x256xf32, #tpu.memory_space<vmem>>, vector<256x256xf32>
    %dot_general3A = arith.constant dense<0.000000e+00> : vector<632x256xf32>
    %dot_general3A_28 = tpu.matmul %mul3A_24, %get3A_27, %dot_general3A {dimension_numbers = #tpu.dot_dimension_numbers<[1], [0], [0], [1], [0, 0, 1, 1], [], []>, transpose_lhs_hint = false} : vector<632x256xf32>, vector<256x256xf32>, vector<632x256xf32> -> vector<632x256xf32>
    %get3A_29 = arith.constant 0 : index
    %get3A_30 = arith.constant 0 : index
    %get3A_31 = vector.load %arg5[%get3A_29, %get3A_30] : memref<1x256xf32, #tpu.memory_space<vmem>>, vector<1x256xf32>
    %add3A = vector.broadcast %get3A_31 : vector<1x256xf32> to vector<632x256xf32>
    %add3A_32 = arith.addf %dot_general3A_28, %add3A : vector<632x256xf32>
    %max3A = arith.constant 0.000000e+00 : f32
    %max3A_33 = vector.broadcast %max3A : f32 to vector<632x256xf32>
    %max3A_34 = arith.maximumf %add3A_32, %max3A_33 : vector<632x256xf32>
    %mul3A_35 = vector.broadcast %get3A_17 : vector<632x1xf32> to vector<632x256xf32>
    %mul3A_36 = arith.mulf %mul3A_35, %max3A_34 : vector<632x256xf32>
    %eq3A = arith.constant 0 : i32
    %eq3A_37 = arith.cmpi eq, %select_n3A, %eq3A : i32
    %slice3A = vector.extract_strided_slice %mul3A_36 {offsets = [0, 0], sizes = [632, 128], strides = [1, 1]} : vector<632x256xf32> to vector<632x128xf32>
    %slice3A_38 = vector.extract_strided_slice %mul3A_36 {offsets = [0, 128], sizes = [632, 128], strides = [1, 1]} : vector<632x256xf32> to vector<632x128xf32>
    %select_n3A_39 = arith.select %eq3A_37, %slice3A, %slice3A_38 : vector<632x128xf32>
    %swap3A = arith.constant 0 : index
    %swap3A_40 = arith.constant 0 : index
    %swap3A_41 = vector.load %arg6[%swap3A, %swap3A_40] : memref<632x128xf32, #tpu.memory_space<vmem>>, vector<632x128xf32>
    tpu.vector_store %arg6[%swap3A, %swap3A_40], %select_n3A_39 {strides = array<i32>} : memref<632x128xf32, #tpu.memory_space<vmem>>, vector<632x128xf32>,
    return
  }
  func.func @transform_0(%arg0: i32) -> (i32, i32) {
    %jit3A = arith.constant 16 : i32
    %eq3A = arith.constant 0 : i32
    %eq3A_0 = arith.cmpi eq, %jit3A, %eq3A : i32
    %jit3A_1 = arith.constant 1 : i32
    %select_n3A = arith.select %eq3A_0, %jit3A_1, %jit3A : i32
    %rem3A = arith.remsi %arg0, %select_n3A : i32
    %ne3A = arith.constant 0 : i32
    %ne3A_2 = arith.cmpi ne, %rem3A, %ne3A : i32
    %lt3A = arith.constant 0 : i32
    %lt3A_3 = arith.cmpi slt, %rem3A, %lt3A : i32
    %lt3A_4 = arith.constant 0 : i32
    %lt3A_5 = arith.cmpi slt, %select_n3A, %lt3A_4 : i32
    %ne3A_6 = arith.xori %lt3A_3, %lt3A_5 : i1
    %and3A = arith.andi %ne3A_6, %ne3A_2 : i1
    %add3A = arith.addi %rem3A, %select_n3A : i32
    %select_n3A_7 = arith.select %and3A, %add3A, %rem3A : i32
    %c0_i32 = arith.constant 0 : i32
    %c0_i32_8 = arith.constant 0 : i32
    return %select_n3A_7, %c0_i32 : i32, i32
  }
  func.func @transform_1(%arg0: i32) -> (i32, i32) {
    %jit3A = arith.constant 16 : i32
    %eq3A = arith.constant 0 : i32
    %eq3A_0 = arith.cmpi eq, %jit3A, %eq3A : i32
    %jit3A_1 = arith.constant 1 : i32
    %select_n3A = arith.select %eq3A_0, %jit3A_1, %jit3A : i32
    %rem3A = arith.remsi %arg0, %select_n3A : i32
    %ne3A = arith.constant 0 : i32
    %ne3A_2 = arith.cmpi ne, %rem3A, %ne3A : i32
    %lt3A = arith.constant 0 : i32
    %lt3A_3 = arith.cmpi slt, %rem3A, %lt3A : i32
    %lt3A_4 = arith.constant 0 : i32
    %lt3A_5 = arith.cmpi slt, %select_n3A, %lt3A_4 : i32
    %ne3A_6 = arith.xori %lt3A_3, %lt3A_5 : i1
    %and3A = arith.andi %ne3A_6, %ne3A_2 : i1
    %add3A = arith.addi %rem3A, %select_n3A : i32
    %select_n3A_7 = arith.select %and3A, %add3A, %rem3A : i32
    %c0_i32 = arith.constant 0 : i32
    %c0_i32_8 = arith.constant 0 : i32
    return %select_n3A_7, %c0_i32 : i32, i32
  }
  func.func @transform_2(%arg0: i32) -> (i32, i32) {
    %jit3A = arith.constant 16 : i32
    %eq3A = arith.constant 0 : i32
    %eq3A_0 = arith.cmpi eq, %jit3A, %eq3A : i32
    %jit3A_1 = arith.constant 1 : i32
    %select_n3A = arith.select %eq3A_0, %jit3A_1, %jit3A : i32
    %rem3A = arith.remsi %arg0, %select_n3A : i32
    %ne3A = arith.constant 0 : i32
    %ne3A_2 = arith.cmpi ne, %rem3A, %ne3A : i32
    %lt3A = arith.constant 0 : i32
    %lt3A_3 = arith.cmpi slt, %rem3A, %lt3A : i32
    %lt3A_4 = arith.constant 0 : i32
    %lt3A_5 = arith.cmpi slt, %select_n3A, %lt3A_4 : i32
    %ne3A_6 = arith.xori %lt3A_3, %lt3A_5 : i1
    %and3A = arith.andi %ne3A_6, %ne3A_2 : i1
    %add3A = arith.addi %rem3A, %select_n3A : i32
    %select_n3A_7 = arith.select %and3A, %add3A, %rem3A : i32
    %add3A_8 = arith.constant 16 : i32
    %add3A_9 = arith.addi %add3A_8, %select_n3A_7 : i32
    %c0_i32 = arith.constant 0 : i32
    %c0_i32_10 = arith.constant 0 : i32
    return %add3A_9, %c0_i32 : i32, i32
  }
  func.func @transform_3(%arg0: i32) -> (i32, i32) {
    %c0_i32 = arith.constant 0 : i32
    %c0_i32_0 = arith.constant 0 : i32
    %c0_i32_1 = arith.constant 0 : i32
    return %c0_i32, %c0_i32_0 : i32, i32
  }
  func.func @transform_4(%arg0: i32) -> (i32, i32) {
    %c0_i32 = arith.constant 0 : i32
    %c0_i32_0 = arith.constant 0 : i32
    %c0_i32_1 = arith.constant 0 : i32
    return %c0_i32, %c0_i32_0 : i32, i32
  }
  func.func @transform_5(%arg0: i32) -> (i32, i32) {
    %c0_i32 = arith.constant 0 : i32
    %c0_i32_0 = arith.constant 0 : i32
    return %arg0, %c0_i32 : i32, i32
  }
}

module attributes {stable_mosaic.version = 14 : i64} {
  func.func @_final_kernel(%arg0: i32, %arg1: memref<632x8xf32, #tpu.memory_space<vmem>>, %arg2: memref<632x128xf32, #tpu.memory_space<vmem>>, %arg3: memref<632x128xf32, #tpu.memory_space<vmem>>, %arg4: memref<256x256xf32, #tpu.memory_space<vmem>>, %arg5: memref<1x256xf32, #tpu.memory_space<vmem>>, %arg6: memref<1x1x632xi32, #tpu.memory_space<vmem>>, %arg7: memref<256x10xf32, #tpu.memory_space<vmem>>, %arg8: memref<1x10xf32, #tpu.memory_space<vmem>>, %arg9: memref<64x10xf32, #tpu.memory_space<vmem>>, %arg10: memref<64x256xf32, #tpu.memory_space<vmem>>, %arg11: memref<64x1xf32, #tpu.memory_space<vmem>>) attributes {dimension_semantics = [#tpu.dimension_semantics<arbitrary>], iteration_bounds = array<i64: 16>, scalar_prefetch = 0 : i64, scratch_operands = 2 : i64, tpu.core_type = #tpu.core_type<tc>, window_params = [{transform_indices = @transform_0, window_bounds = array<i64: 632, 8>}, {transform_indices = @transform_1, window_bounds = array<i64: 632, 128>}, {transform_indices = @transform_2, window_bounds = array<i64: 632, 128>}, {pipeline_mode = #tpu.pipeline_mode<synchronous>, transform_indices = @transform_3, window_bounds = array<i64: 256, 256>}, {pipeline_mode = #tpu.pipeline_mode<synchronous>, transform_indices = @transform_4, window_bounds = array<i64: 1, 256>}, {transform_indices = @transform_5, window_bounds = array<i64: 1, 1, 632>}, {pipeline_mode = #tpu.pipeline_mode<synchronous>, transform_indices = @transform_6, window_bounds = array<i64: 256, 10>}, {pipeline_mode = #tpu.pipeline_mode<synchronous>, transform_indices = @transform_7, window_bounds = array<i64: 1, 10>}, {pipeline_mode = #tpu.pipeline_mode<synchronous>, transform_indices = @transform_8, window_bounds = array<i64: 64, 10>}]} {
    %get3A = arith.constant 0 : index
    %get3A_0 = arith.constant 0 : index
    %get3A_1 = vector.load %arg1[%get3A, %get3A_0] : memref<632x8xf32, #tpu.memory_space<vmem>>, vector<632x1xf32>
    %get3A_2 = arith.constant 0 : index
    %get3A_3 = arith.constant 0 : index
    %get3A_4 = vector.load %arg2[%get3A_2, %get3A_3] : memref<632x128xf32, #tpu.memory_space<vmem>>, vector<632x128xf32>
    %get3A_5 = arith.constant 0 : index
    %get3A_6 = arith.constant 0 : index
    %get3A_7 = vector.load %arg3[%get3A_5, %get3A_6] : memref<632x128xf32, #tpu.memory_space<vmem>>, vector<632x128xf32>
    %concatenate3A = tpu.concatenate %get3A_4, %get3A_7 in 1 : vector<632x128xf32>, vector<632x128xf32> -> vector<632x256xf32>
    %mul3A = vector.broadcast %get3A_1 : vector<632x1xf32> to vector<632x256xf32>
    %mul3A_8 = arith.mulf %mul3A, %concatenate3A : vector<632x256xf32>
    %get3A_9 = arith.constant 0 : index
    %get3A_10 = arith.constant 0 : index
    %get3A_11 = vector.load %arg4[%get3A_9, %get3A_10] : memref<256x256xf32, #tpu.memory_space<vmem>>, vector<256x256xf32>
    %dot_general3A = arith.constant dense<0.000000e+00> : vector<632x256xf32>
    %dot_general3A_12 = tpu.matmul %mul3A_8, %get3A_11, %dot_general3A {dimension_numbers = #tpu.dot_dimension_numbers<[1], [0], [0], [1], [0, 0, 1, 1], [], []>, transpose_lhs_hint = false} : vector<632x256xf32>, vector<256x256xf32>, vector<632x256xf32> -> vector<632x256xf32>
    %get3A_13 = arith.constant 0 : index
    %get3A_14 = arith.constant 0 : index
    %get3A_15 = vector.load %arg5[%get3A_13, %get3A_14] : memref<1x256xf32, #tpu.memory_space<vmem>>, vector<1x256xf32>
    %add3A = vector.broadcast %get3A_15 : vector<1x256xf32> to vector<632x256xf32>
    %add3A_16 = arith.addf %dot_general3A_12, %add3A : vector<632x256xf32>
    %iota3A = tpu.iota {dimensions = array<i32: 0>} : vector<64x632xi32>
    %get3A_17 = arith.constant 0 : index
    %get3A_18 = arith.constant 0 : index
    %get3A_19 = arith.constant 0 : index
    %get3A_20 = vector.load %arg6[%get3A_17, %get3A_18, %get3A_19] : memref<1x1x632xi32, #tpu.memory_space<vmem>>, vector<1x1x632xi32>
    %get3A_21 = vector.shape_cast %get3A_20 : vector<1x1x632xi32> to vector<1x632xi32>
    %eq3A = vector.broadcast %get3A_21 : vector<1x632xi32> to vector<64x632xi32>
    %eq3A_22 = arith.cmpi eq, %iota3A, %eq3A : vector<64x632xi32>
    %convert_element_type3A = arith.extui %eq3A_22 : vector<64x632xi1> to vector<64x632xi32>
    %convert_element_type3A_23 = arith.sitofp %convert_element_type3A : vector<64x632xi32> to vector<64x632xf32>
    %eq3A_24 = arith.constant 0 : i32
    %eq3A_25 = arith.cmpi eq, %arg0, %eq3A_24 : i32
    %convert_element_type3A_26 = arith.extui %eq3A_25 : i1 to i32
    %cond3A = arith.constant 0 : i32
    %cond3A_27 = arith.cmpi ne, %convert_element_type3A_26, %cond3A : i32
    scf.if %cond3A_27 {
      %broadcast_in_dim3A_49 = arith.constant 0.000000e+00 : f32
      %broadcast_in_dim3A_50 = vector.broadcast %broadcast_in_dim3A_49 : f32 to vector<64x256xf32>
      %swap3A_51 = arith.constant 0 : index
      %swap3A_52 = arith.constant 0 : index
      %swap3A_53 = vector.load %arg10[%swap3A_51, %swap3A_52] : memref<64x256xf32, #tpu.memory_space<vmem>>, vector<64x256xf32>
      tpu.vector_store %arg10[%swap3A_51, %swap3A_52], %broadcast_in_dim3A_50 {strides = array<i32>} : memref<64x256xf32, #tpu.memory_space<vmem>>, vector<64x256xf32>,
      %broadcast_in_dim3A_54 = arith.constant 0.000000e+00 : f32
      %broadcast_in_dim3A_55 = vector.broadcast %broadcast_in_dim3A_54 : f32 to vector<64x1xf32>
      %swap3A_56 = arith.constant 0 : index
      %swap3A_57 = arith.constant 0 : index
      %swap3A_58 = vector.load %arg11[%swap3A_56, %swap3A_57] : memref<64x1xf32, #tpu.memory_space<vmem>>, vector<64x1xf32>
      tpu.vector_store %arg11[%swap3A_56, %swap3A_57], %broadcast_in_dim3A_55 {strides = array<i32>} : memref<64x1xf32, #tpu.memory_space<vmem>>, vector<64x1xf32>,
    } else {
    }
    %get3A_28 = arith.constant 0 : index
    %get3A_29 = arith.constant 0 : index
    %get3A_30 = vector.load %arg10[%get3A_28, %get3A_29] : memref<64x256xf32, #tpu.memory_space<vmem>>, vector<64x256xf32>
    %dot_general3A_31 = arith.constant dense<0.000000e+00> : vector<64x256xf32>
    %dot_general3A_32 = tpu.matmul %convert_element_type3A_23, %add3A_16, %dot_general3A_31 {dimension_numbers = #tpu.dot_dimension_numbers<[1], [0], [0], [1], [0, 0, 1, 1], [], []>, transpose_lhs_hint = false} : vector<64x632xf32>, vector<632x256xf32>, vector<64x256xf32> -> vector<64x256xf32>
    %add3A_33 = arith.addf %get3A_30, %dot_general3A_32 : vector<64x256xf32>
    %swap3A = arith.constant 0 : index
    %swap3A_34 = arith.constant 0 : index
    %swap3A_35 = vector.load %arg10[%swap3A, %swap3A_34] : memref<64x256xf32, #tpu.memory_space<vmem>>, vector<64x256xf32>
    tpu.vector_store %arg10[%swap3A, %swap3A_34], %add3A_33 {strides = array<i32>} : memref<64x256xf32, #tpu.memory_space<vmem>>, vector<64x256xf32>,
    %get3A_36 = arith.constant 0 : index
    %get3A_37 = arith.constant 0 : index
    %get3A_38 = vector.load %arg11[%get3A_36, %get3A_37] : memref<64x1xf32, #tpu.memory_space<vmem>>, vector<64x1xf32>
    %reduce_sum3A = arith.constant dense<0.000000e+00> : vector<64xf32>
    %reduce_sum3A_39 = vector.multi_reduction <add>, %convert_element_type3A_23, %reduce_sum3A [1] : vector<64x632xf32> to vector<64xf32>
    %broadcast_in_dim3A = vector.shape_cast %reduce_sum3A_39 : vector<64xf32> to vector<64x1xf32>
    %add3A_40 = arith.addf %get3A_38, %broadcast_in_dim3A : vector<64x1xf32>
    %swap3A_41 = arith.constant 0 : index
    %swap3A_42 = arith.constant 0 : index
    %swap3A_43 = vector.load %arg11[%swap3A_41, %swap3A_42] : memref<64x1xf32, #tpu.memory_space<vmem>>, vector<64x1xf32>
    tpu.vector_store %arg11[%swap3A_41, %swap3A_42], %add3A_40 {strides = array<i32>} : memref<64x1xf32, #tpu.memory_space<vmem>>, vector<64x1xf32>,
    %eq3A_44 = arith.constant 15 : i32
    %eq3A_45 = arith.cmpi eq, %arg0, %eq3A_44 : i32
    %convert_element_type3A_46 = arith.extui %eq3A_45 : i1 to i32
    %cond3A_47 = arith.constant 0 : i32
    %cond3A_48 = arith.cmpi ne, %convert_element_type3A_46, %cond3A_47 : i32
    scf.if %cond3A_48 {
      %get3A_49 = arith.constant 0 : index
      %get3A_50 = arith.constant 0 : index
      %get3A_51 = vector.load %arg10[%get3A_49, %get3A_50] : memref<64x256xf32, #tpu.memory_space<vmem>>, vector<64x256xf32>
      %get3A_52 = arith.constant 0 : index
      %get3A_53 = arith.constant 0 : index
      %get3A_54 = vector.load %arg11[%get3A_52, %get3A_53] : memref<64x1xf32, #tpu.memory_space<vmem>>, vector<64x1xf32>
      %max3A = arith.constant 1.000000e+00 : f32
      %max3A_55 = vector.broadcast %max3A : f32 to vector<64x1xf32>
      %max3A_56 = arith.maximumf %get3A_54, %max3A_55 : vector<64x1xf32>
      %div3A = vector.broadcast %max3A_56 : vector<64x1xf32> to vector<64x256xf32>
      %div3A_57 = arith.divf %get3A_51, %div3A : vector<64x256xf32>
      %get3A_58 = arith.constant 0 : index
      %get3A_59 = arith.constant 0 : index
      %get3A_60 = vector.load %arg7[%get3A_58, %get3A_59] : memref<256x10xf32, #tpu.memory_space<vmem>>, vector<256x10xf32>
      %dot_general3A_61 = arith.constant dense<0.000000e+00> : vector<64x10xf32>
      %dot_general3A_62 = tpu.matmul %div3A_57, %get3A_60, %dot_general3A_61 {dimension_numbers = #tpu.dot_dimension_numbers<[1], [0], [0], [1], [0, 0, 1, 1], [], []>, transpose_lhs_hint = false} : vector<64x256xf32>, vector<256x10xf32>, vector<64x10xf32> -> vector<64x10xf32>
      %get3A_63 = arith.constant 0 : index
      %get3A_64 = arith.constant 0 : index
      %get3A_65 = vector.load %arg8[%get3A_63, %get3A_64] : memref<1x10xf32, #tpu.memory_space<vmem>>, vector<1x10xf32>
      %add3A_66 = vector.broadcast %get3A_65 : vector<1x10xf32> to vector<64x10xf32>
      %add3A_67 = arith.addf %dot_general3A_62, %add3A_66 : vector<64x10xf32>
      %swap3A_68 = arith.constant 0 : index
      %swap3A_69 = arith.constant 0 : index
      %swap3A_70 = vector.load %arg9[%swap3A_68, %swap3A_69] : memref<64x10xf32, #tpu.memory_space<vmem>>, vector<64x10xf32>
      tpu.vector_store %arg9[%swap3A_68, %swap3A_69], %add3A_67 {strides = array<i32>} : memref<64x10xf32, #tpu.memory_space<vmem>>, vector<64x10xf32>,
    } else {
    }
    return
  }
  func.func @transform_0(%arg0: i32) -> (i32, i32) {
    %c0_i32 = arith.constant 0 : i32
    %c0_i32_0 = arith.constant 0 : i32
    return %arg0, %c0_i32 : i32, i32
  }
  func.func @transform_1(%arg0: i32) -> (i32, i32) {
    %c0_i32 = arith.constant 0 : i32
    %c0_i32_0 = arith.constant 0 : i32
    return %arg0, %c0_i32 : i32, i32
  }
  func.func @transform_2(%arg0: i32) -> (i32, i32) {
    %add3A = arith.constant 16 : i32
    %add3A_0 = arith.addi %add3A, %arg0 : i32
    %c0_i32 = arith.constant 0 : i32
    %c0_i32_1 = arith.constant 0 : i32
    return %add3A_0, %c0_i32 : i32, i32
  }
  func.func @transform_3(%arg0: i32) -> (i32, i32) {
    %c0_i32 = arith.constant 0 : i32
    %c0_i32_0 = arith.constant 0 : i32
    %c0_i32_1 = arith.constant 0 : i32
    return %c0_i32, %c0_i32_0 : i32, i32
  }
  func.func @transform_4(%arg0: i32) -> (i32, i32) {
    %c0_i32 = arith.constant 0 : i32
    %c0_i32_0 = arith.constant 0 : i32
    %c0_i32_1 = arith.constant 0 : i32
    return %c0_i32, %c0_i32_0 : i32, i32
  }
  func.func @transform_5(%arg0: i32) -> (i32, i32, i32) {
    %c0_i32 = arith.constant 0 : i32
    %c0_i32_0 = arith.constant 0 : i32
    %c0_i32_1 = arith.constant 0 : i32
    return %arg0, %c0_i32, %c0_i32_0 : i32, i32, i32
  }
  func.func @transform_6(%arg0: i32) -> (i32, i32) {
    %c0_i32 = arith.constant 0 : i32
    %c0_i32_0 = arith.constant 0 : i32
    %c0_i32_1 = arith.constant 0 : i32
    return %c0_i32, %c0_i32_0 : i32, i32
  }
  func.func @transform_7(%arg0: i32) -> (i32, i32) {
    %c0_i32 = arith.constant 0 : i32
    %c0_i32_0 = arith.constant 0 : i32
    %c0_i32_1 = arith.constant 0 : i32
    return %c0_i32, %c0_i32_0 : i32, i32
  }
  func.func @transform_8(%arg0: i32) -> (i32, i32) {
    %c0_i32 = arith.constant 0 : i32
    %c0_i32_0 = arith.constant 0 : i32
    %c0_i32_1 = arith.constant 0 : i32
    return %c0_i32, %c0_i32_0 : i32, i32
  }
}

</mosaic_0001>

<sc_bundles>
// kernel: kernel.10.cloned.1.call-start
scs
__scs_entry_jumppad:
0x0: {  	(pc) =	sbr.rel $0x88, $3  }
0x1: {  	(tag) =	ssettag $0x0;
	lr =	simm.s32 $0x1  }
0x2: {  	[smem:$0x3F96] =	sst lr;
	_ =	strace $0xD0000000  }
0x3: {  	_ = 	snop  }
0x4: {  	_ = 	snop  }
0x5: {  	_ = 	snop  }
0x6: {  	_ = 	snop  }
0x7: {  	_ = 	snop  }
__scs_overlays_trampoline_lowered:
0x8: {  	[smem:$0x3FA5] =	sst s0  }
0x9: {  	[smem:$0x3FA6] =	sst s1  }
0xa: {  	[smem:$0x3FA7] =	sst s2  }
0xb: {  	[smem:$0x3FA8] =	sst s3  }
0xc: {  	[smem:$0x3FA9] =	sst s4  }
0xd: {  	[smem:$0x3FAA] =	sst s5  }
0xe: {  	[smem:$0x3FAB] =	sst s6  }
0xf: {  	[smem:$0x3FAC] =	sst s7  }
0x10: {  	[smem:$0x3FAD] =	sst s8  }
0x11: {  	[smem:$0x3FAE] =	sst s9;
	s0 =	simm.s32 @!p0 $0x0  }
0x12: {  	s1 =	sld [smem:$0x3F94];
	s0 =	simm.s32 @p0 $0x1  }
0x13: {  	[smem:$0x3FAF] =	sst s0;
	s0 =	simm.s32 @!p1 $0x0  }
0x14: {  	s2 =	sld [smem:$0x3F93];
	s0 =	simm.s32 @p1 $0x1  }
0x15: {  	[smem:$0x3FB0] =	sst s0;
	s0 =	simm.s32 @!p2 $0x0  }
0x16: {  	s3 =	sld [smem:$0x3FDB];
	s0 =	simm.s32 @p2 $0x1  }
0x17: {  	s4 =	simm.s32 $0x1BF5;
	[smem:$0x3FB2] =	sst s0  }
0x18: {  	s0 =	sld [smem:$0x3F95];
	_ =	swait.ge [sflag:s4], $0x0  }
0x19: {  	s7 =	sld [smem:$0x3F96]  }
0x1a: {  	s8 =	sadd.s32 $0xFFFFE003, lr  }
0x1b: {  	s9 =	sadd.s32 $0xFFFFFEF7, lr;
	s5 =	simm.s32 $0xFFFFFFFF;
	p2 =	slt.u32 s8, $0xFFFFF086  }
0x1c: {  	p1 =	slt.u32 s9, $0xF7A;
	s5 =	simm.s32 @!p2 $0x0  }
0x1d: {  	s5 =	simm.s32 @p1 $0x1;
	p0 =	seq.s32 s7, s2  }
0x1e: {  	s7 =	smul.u32 @!p0 $0xF7A, s2;
	p2 =	seq.s32 @!p0 s5, $0x0  }
0x1f: {  	s9 =	smul.u32 $0xF7A, s1;
	s8 =	simm.s32 @!p0 $0x1BF5;
	p2 =	por !p2, p0  }
0x20: {  	[sflag:s8] =	ssyncset.s32 @!p0 $0xFFFFF086;
	s6 =	sadd.s32 @!p0 s3, s7;
	s7 =	simm.s32 @!p0 $0x108  }
0x21: {  	s3 =	sadd.s32 s3, s9;
	s6 =	sadd.s32 @!p0 $0x88, s6;
	s7 =	simm.s32 @p2 $0x1082  }
0x22: {  	[simem:s7], [sflag:s8] =	dma.local @!p0 [hbm:s6], $0xF7A  }
0x23: {  	s9 =	sor.u32 $0xD0000000, s2;
	s6 =	simm.s32 $0x108;
	_ =	swait.ge @!p0 [sflag:s8], $0x0  }
0x24: {  	s3 =	sadd.s32 $0x88, s3;
	s6 =	simm.s32 @!p1 $0x1082;
	[sflag:s4] =	ssyncset.s32 $0xFFFFF086  }
0x25: {  	[simem:s6], [sflag:s4] =	dma.local [hbm:s3], $0xF7A  }
0x26: {  	[smem:$0x3F96] =	sst s1;
	(tag) =	ssettag s2;
	_ =	strace s9  }
0x27: {  	s1 =	sld [smem:$0x3FA6]  }
0x28: {  	s2 =	sld [smem:$0x3FA7]  }
0x29: {  	s4 =	sld [smem:$0x3FA9]  }
0x2a: {  	p0 =	seq.s32 s5, $0x0;
	s5 =	sld [smem:$0x3FAA]  }
0x2b: {  	s6 =	sld [smem:$0x3FAB]  }
0x2c: {  	s7 =	sld [smem:$0x3FAC]  }
0x2d: {  	s3 =	simm.s32 $0x108;
	s8 =	sld [smem:$0x3FAD]  }
0x2e: {  	s3 =	simm.s32 @!p0 $0x1082;
	s9 =	sld [smem:$0x3FAE]  }
0x2f: {  	lr =	sadd.s32 s0, s3;
	s0 =	sld [smem:$0x3FA5]  }
0x30: {  	s3 =	sld [smem:$0x3FA8]  }
0x31: {  	[smem:$0x3FB1] =	sst s10  }
0x32: {  	s10 =	sld [smem:$0x3FAF];
	_ =	sdelay $0x3  }
0x33: {  	p0 =	seq.s32 s10, $0x1;
	s10 =	sld [smem:$0x3FB1];
	_ =	sdelay $0x3  }
0x34: {  	[smem:$0x3FB1] =	sst s10  }
0x35: {  	s10 =	sld [smem:$0x3FB0];
	_ =	sdelay $0x3  }
0x36: {  	p1 =	seq.s32 s10, $0x1;
	s10 =	sld [smem:$0x3FB1];
	_ =	sdelay $0x3  }
0x37: {  	[smem:$0x3FB1] =	sst s10  }
0x38: {  	s10 =	sld [smem:$0x3FB2]  }
0x39: {  	_ = 	snop;
	(pc) =	sbr.ind lr, $3  }
0x3a: {  	_ = 	snop  }
0x3b: {  	_ = 	snop  }
0x3c: {  	p2 =	seq.s32 s10, $0x1;
	s10 =	sld [smem:$0x3FB1]  }
0x3d: {  	_ =	shalt  }
0x3e: {  	_ =	shalt  }
0x3f: {  	_ =	shalt  }
0x40: {  	_ =	shalt  }
0x41: {  	_ =	shalt  }
0x42: {  	_ =	shalt  }
0x43: {  	_ =	shalt  }
0x44: {  	_ =	shalt  }
0x45: {  	_ =	shalt  }
0x46: {  	_ =	shalt  }
0x47: {  	_ =	shalt  }
0x48: {  	_ =	shalt  }
0x49: {  	_ =	shalt  }
0x4a: {  	_ =	shalt  }
0x4b: {  	_ =	shalt  }
0x4c: {  	_ =	shalt  }
0x4d: {  	_ =	shalt  }
0x4e: {  	_ =	shalt  }
0x4f: {  	_ =	shalt  }
0x50: {  	_ =	shalt  }
0x51: {  	_ =	shalt  }
0x52: {  	_ =	shalt  }
0x53: {  	_ =	shalt  }
0x54: {  	_ =	shalt  }
0x55: {  	_ =	shalt  }
0x56: {  	_ =	shalt  }
0x57: {  	_ =	shalt  }
0x58: {  	_ =	shalt  }
0x59: {  	_ =	shalt  }
0x5a: {  	_ =	shalt  }
0x5b: {  	_ =	shalt  }
0x5c: {  	_ =	shalt  }
0x5d: {  	_ =	shalt  }
0x5e: {  	_ =	shalt  }
0x5f: {  	_ =	shalt  }
0x60: {  	_ =	shalt  }
0x61: {  	_ =	shalt  }
0x62: {  	_ =	shalt  }
0x63: {  	_ =	shalt  }
0x64: {  	_ =	shalt  }
0x65: {  	_ =	shalt  }
0x66: {  	_ =	shalt  }
0x67: {  	_ =	shalt  }
0x68: {  	_ =	shalt  }
0x69: {  	_ =	shalt  }
0x6a: {  	_ =	shalt  }
0x6b: {  	_ =	shalt  }
0x6c: {  	_ =	shalt  }
0x6d: {  	_ =	shalt  }
0x6e: {  	_ =	shalt  }
0x6f: {  	_ =	shalt  }
0x70: {  	_ =	shalt  }
0x71: {  	_ =	shalt  }
0x72: {  	_ =	shalt  }
0x73: {  	_ =	shalt  }
0x74: {  	_ =	shalt  }
0x75: {  	_ =	shalt  }
0x76: {  	_ =	shalt  }
0x77: {  	_ =	shalt  }
0x78: {  	_ =	shalt  }
0x79: {  	_ =	shalt  }
0x7a: {  	_ =	shalt  }
0x7b: {  	_ =	shalt  }
0x7c: {  	_ =	shalt  }
0x7d: {  	_ =	shalt  }
0x7e: {  	_ =	shalt  }
0x7f: {  	_ =	shalt  }
0x80: {  	_ =	shalt  }
0x81: {  	_ =	shalt  }
0x82: {  	_ =	shalt  }
0x83: {  	_ =	shalt  }
0x84: {  	_ =	shalt  }
0x85: {  	_ =	shalt  }
0x86: {  	_ =	shalt  }
0x87: {  	_ =	shalt  }
.Lfunc_end0:
.L_simem_size_0:
called_computation_lowered:
.L_overlay_start_0:
0x88: {  	s2 =	sld [smem:$0x3FD9]  }
0x89: {  	s3 =	sld [smem:$0x3FFE];
	_ =	sdelay $0x1  }
0x8a: {  	s1 =	srdreg.scid  }
0x8b: {  	s0 =	sand.u32 $0x1, s1  }
0x8c: {  	s16 =	sshll.u32 s0, $0xA;
	s2 =	sadd.s32 s3, s2  }
0x8d: {  	s2 =	sadd.s32 s2, s16  }
0x8e: {  	[smem:$0x3FBD] =	sst s2  }
0x8f: {  	_ = 	snop  }
0x90: {  	(tm) =	ssettm $0x1  }
0x91: {  	s17 =	sld [smem:$0x3FFB];
	_ =	sdelay $0x3  }
0x92: {  	_ =	strace s17  }
0x93: {  	s2 =	sld [smem:$0x3FFC];
	_ =	sdelay $0x3  }
0x94: {  	_ =	strace s2  }
0x95: {  	s2 =	sld [smem:$0x3FFD];
	_ =	sdelay $0x3  }
0x96: {  	_ =	strace s2  }
0x97: {  	_ =	strace $0x8FFFFFFF  }
0x98: {  	s18 =	sld [smem:$0x3FDB];
	_ =	sdelay $0x1  }
0x99: {  	s19 =	simm.s32 $_scs_section_size  }
0x9a: {  	s4 =	simm.s32 $_size__tile_overlayer_lowered;
	s5 =	simm.s32 $_tile_overlayer_lowered  }
0x9b: {  	s22 =	simm.s32 $0x1BFF;
	s21 =	sshll.u32 s5, $0x1;
	s2 =	sadd.s32 s19, s18  }
0x9c: {  	s6 =	simm.s32 $0x0;
	s20 =	sshll.u32 s4, $0x1;
	s4 =	sadd.s32 s21, s2  }
0x9d: {  	[timem:s6], [sflag:s22] =	dma.local [hbm:s4], s20  }
0x9e: {  	_ =	swait.ge [sflag:s22], s20  }
0x9f: {  	s3 =	ssub.s32 $0x0, s20;
	[sflag:s22] =	ssyncset.done $0x0  }
0xa0: {  	[sflag:s22] =	ssyncadd.s32 s3;
	_ =	sdelay $0x1  }
0xa1: {  	s23 =	simm.s32 $0x1B8B  }
0xa2: {  	_ =	swait.ge [sflag:s23], $0x1  }
0xa3: {  	[sflag:s23] =	ssyncset.done $0x0  }
0xa4: {  	s25 =	simm.s32 $0x1B8E;
	s24 =	sld [smem:$0x3FFE];
	[sflag:s23] =	ssyncadd.s32 $0xFFFFFFFF  }
0xa5: {  	s26 =	simm.s32 $execute0_lowered;
	[smem:$0x3FD2] =	sst s25  }
0xa6: {  	s4 =	sshll.u32 s26, $0x1;
	_ =	strace $0x80000046;
	[dreg:$0x1] =	wrdreg $0xFFFFFFFF  }
0xa7: {  	s28 =	simm.s32 $_size_execute0_lowered;
	s2 =	sadd.s32 s2, s4;
	[dreg:$0x0] =	wrdreg $0x0  }
0xa8: {  	s4 =	sshll.u32 s28, $0x1;
	[dreg:$0x2] =	wrdreg s2  }
0xa9: {  	[dreg:$0x3] =	wrdreg s4  }
0xaa: {  	[dreg:$0x4] =	wrdreg $0xC0  }
0xab: {  	_ =	task [dreg:s6], $0x5FFFF  }
0xac: {  	[dreg:$0x1] =	wrdreg $0xFFFFFFFF  }
0xad: {  	[dreg:$0x0] =	wrdreg $0x60  }
0xae: {  	[dreg:$0x2] =	wrdreg s24  }
0xaf: {  	[dreg:$0x3] =	wrdreg $0x68000  }
0xb0: {  	[dreg:$0x4] =	wrdreg $0x9  }
0xb1: {  	_ =	task.clear_ibuf [dreg:s6], $0x5FFFF;
	_ =	strace $0x90000046  }
0xb2: {  	s29 =	simm.s32 $0x9;
	_ =	strace $0x80000048  }
0xb3: {  	_ =	swait.ge [sflag:s29], $0x1  }
0xb4: {  	[sflag:s29] =	ssyncadd.s32 $0xFFFFFFFF  }
0xb5: {  	_ =	strace $0x90000048  }
0xb6: {  	_ =	sfence  }
0xb7: {  	s30 =	sld [smem:$0x0];
	_ =	sdelay $0x2  }
0xb8: {  	s31 =	sshll.u32 s1, $0xD;
	s1 =	sshrl.u32 s1, $0x2  }
0xb9: {  	s3 =	sand.u32 $0x4000, s31;
	s1 =	sadd.s32 s1, s30  }
0xba: {  	s0 =	sor.u32 s3, s0;
	s1 =	sshll.u32 s1, $0x11  }
0xbb: {  	s0 =	sor.u32 s1, s0  }
0xbc: {  	s0 =	sadd.s32 $0x8F2B, s0  }
0xbd: {  	[sflag:s0] =	ssyncadd.remote.s32 $0x1  }
0xbe: {  	_ =	sfence.sel $0xFFFF  }
0xbf: {  	[dreg:$0x0] =	wrdreg $0xFFFFFFFF;
	(pc) =	sbr.abs _section_cstart, $3  }
0xc0: {  	[dreg:$0x1] =	wrdreg $0xFFFFFFFF  }
0xc1: {  	_ =	task.clear_ibuf [dreg:s6], $0x2FFFF;
	_ =	strace $0x9FFFFFFF  }
0xc2: {  	(tm) =	ssettm $0x7FFFFFFF  }
0xc3: {  	_ =	shalt  }
tec
execute0_lowered:
.L_overlay_start_1:
0x0: {  	(tag) =	ssettag $0x1  }
0x1: {  	s0 =	srdreg.scid;
	s6 =	rddreg [dreg:$0x0]  }
0x2: {  	s2 =	rddreg [dreg:$0x1];
	s7 =	sand.u32 $0x1, s0  }
0x3: {  	s0 =	stileid.u32;
	s4 =	smul.u32 $0x28000, s7  }
0x4: {  	s1 =	rddreg [dreg:$0x2];
	s3 =	simm.s32 $0x0;
	s5 =	smul.u32 $0x2800, s0  }
0x5: {  	s13 =	simm.s32 $0x80;
	[smem:$0x7FF] =	sst s3;
	s8 =	smul.u32 $0x2780, s0  }
0x6: {  	s14 =	simm.s32 $0x0;
	_ =	strace $0x80000047;
	s9 =	smul.u32 $0x27800, s7  }
0x7: {  	s11 =	smul.u32 $0x4F000, s0;
	s7 =	ssub.s32 $0x2, s7;
	s31 =	sshll.u32 s0, $0x6  }
0x8: {  	s28 =	sshrl.u32 s7, $0x1;
	s4 =	sadd.s32 s5, s4;
	s8 =	sadd.s32 s8, s9  }
0x9: {  	s29 =	sshrl.u32 s11, $0x2;
	s30 =	ssub.s32 s7, s28;
	s9 =	simm.s32 $0x2800  }
0xa: {  	s11 =	sor.u32 $0x1C01, s31;
	s5 =	sshrl.u32 s4, $0x3;
	s4 =	sadd.s32 $0xD000, s6  }
0xb: {  	s8 =	sadd.s32 s8, s6;
	s12 =	sadd.s32 s29, s2;
	s10 =	sadd.s32 s5, s6  }
0xc: {  	s5 =	sadd.s32 $0xD800, s6;
	s7 =	sadd.s32 $0x10000, s8;
	s8 =	smax.u32 s30, $0x1  }
0xd: {  	s12 =	sshrl.u32 s12, $0x3;
	s6 =	sadd.s32 $0x3000, s10;
	s10 =	simm.s32 $0x1  }
.LBB2_1:
0xe: {  	[tilespmem:s9], [sflag:$0x1] =	stream.linear.gather [hbm4b:s4+s3], $0x4000, $0x38;
	[tilespmem:$0x1A400] =	vst v63  }
0xf: {  	_ =	swait.ge [sflag:s10], $0x4000  }
0x10: {  	[sflag:s10] =	ssyncset.done $0x0  }
0x11: {  	[sflag:s10] =	ssyncadd.s32 $0xFFFFC000  }
0x12: {  	[spmem:s12], [sflag:s11] =	dma.local [hbm:s5], $0x2780  }
0x13: {  	_ =	swait.ge [sflag:s10], $0x2780  }
0x14: {  	[sflag:s10] =	ssyncset.done $0x0  }
0x15: {  	[sflag:s10] =	ssyncadd.s32 $0xFFFFD880  }
0x16: {  	[bflag:$0x0] =	sbarrier.arrive $0xFFFF  }
0x17: {  	[tilespmem:s3], [sflag:$0x1] =	stream.linear.gather [hbm4b:s6+s3], $0x2780, $0x38;
	[tilespmem:$0x1A400] =	vst v63  }
0x18: {  	_ =	swait.ge [sflag:s10], $0x2780  }
0x19: {  	[sflag:s10] =	ssyncset.done $0x0  }
0x1a: {  	s15 =	simm.s32 $0x0;
	[sflag:s10] =	ssyncadd.s32 $0xFFFFD880  }
0x1b: {  	[spmem:s2] =	stream.indirect.scatter.add.f32 [tilespmem:s9], [sflag:$0x1], $0x80, s15, s13, $0xb8;
	[tilespmem:$0x1A400] =	vst v63  }
0x1c: {  	_ =	swait.ge [sflag:s10], $0x4000  }
0x1d: {  	s15 =	simm.s32 $0x200;
	[sflag:s10] =	ssyncset.done $0x0  }
.LBB2_2:
0x1e: {  	s16 =	sshra.s32 s15, $0x2;
	[sflag:s10] =	ssyncadd.s32 $0xFFFFC000;
	p0 =	sne.s32 s15, $0x9C00  }
0x1f: {  	[spmem:s2] =	stream.indirect.scatter.add.f32 [tilespmem:s9], [sflag:$0x1], $0x80, s16, s13, $0xb8;
	[tilespmem:$0x1A400] =	vst v63  }
.Ltmp0:
0x20: {  	_ = 	snop;
	(pc) =	sbr.rel @p0 .LBB2_2-.Ltmp0, $4  }
0x21: {  	_ = 	snop  }
0x22: {  	s15 =	sadd.s32 $0x200, s15  }
0x23: {  	_ =	swait.ge [sflag:s10], $0x4000  }
0x24: {  	[sflag:s10] =	ssyncset.done $0x0  }
0x25: {  	s14 =	sadd.s32 $0x1, s14  }
0x26: {  	[sflag:s10] =	ssyncadd.s32 $0xFFFFC000;
	p0 =	sne.s32 s14, s8  }
.Ltmp1:
0x27: {  	[bflag:$0x0] =	sbarrier.arrive $0xFFFF;
	(pc) =	sbr.rel @p0 .LBB2_1-.Ltmp1, $4  }
0x28: {  	[hbm:s7], [sflag:s11] =	dma.local [spmem:s12], $0x2780  }
0x29: {  	_ =	swait.ge [sflag:s10], $0x2780  }
0x2a: {  	[sflag:s10] =	ssyncset.done $0x0  }
0x2b: {  	[sflag:s10] =	ssyncadd.s32 $0xFFFFD880  }
0x2c: {  	_ =	sfence.sel $0x180000  }
0x2d: {  	[bflag:$0x0] =	sbarrier.arrive $0xFFFF  }
0x2e: {  	p0 =	sne.s32 s0, $0x0;
	_ =	strace $0x90000047  }
0x2f: {  	s0 =	sadd.s32 @!p0 $0x100000, s1;
	[bflag:$0x2] =	sbarrier.arrive $0xFFFF  }
0x30: {  	[sflag:s0] =	ssyncadd.tile.s32 @!p0 $0x1;
	_ =	shalt  }
.Lfunc_end2:
_tile_overlayer_lowered:
.L_overlay_start_2:
0x31: {  	(tag) =	ssettag $0x2  }
0x32: {  	s0 =	rddreg [dreg:$0x0];
	s2 =	stileid.u32  }
0x33: {  	s1 =	rddreg [dreg:$0x1];
	p0 =	sne.s32 s2, $0x0  }
0x34: {  	s3 =	rddreg [dreg:$0x2];
	[bflag:$0x3] =	sbarrier.arrive $0xFFFF;
	s2 =	simm.s32 @!p0 $0x1C01  }
0x35: {  	[timem:s3], [sflag:s2] =	dma.local @!p0 [hbm:s0], s1  }
0x36: {  	s0 =	simm.s32 @!p0 $0x1  }
0x37: {  	_ =	swait.ge @!p0 [sflag:s0], s1  }
0x38: {  	s1 =	ssub.s32 @!p0 $0x0, s1;
	[sflag:s0] =	ssyncset.done @!p0 $0x0  }
0x39: {  	[sflag:s0] =	ssyncadd.s32 @!p0 s1  }
0x3a: {  	[bflag:$0x3] =	sbarrier.arrive $0xFFFF  }
0x3b: {  	_ =	shalt  }

// kernel: kernel.13.cloned.1.call-start
scs
__scs_entry_jumppad:
0x0: {  	(pc) =	sbr.rel $0x88, $3  }
0x1: {  	(tag) =	ssettag $0x0;
	lr =	simm.s32 $0x1  }
0x2: {  	[smem:$0x3F96] =	sst lr;
	_ =	strace $0xD0000000  }
0x3: {  	_ = 	snop  }
0x4: {  	_ = 	snop  }
0x5: {  	_ = 	snop  }
0x6: {  	_ = 	snop  }
0x7: {  	_ = 	snop  }
__scs_overlays_trampoline_lowered:
0x8: {  	[smem:$0x3FA5] =	sst s0  }
0x9: {  	[smem:$0x3FA6] =	sst s1  }
0xa: {  	[smem:$0x3FA7] =	sst s2  }
0xb: {  	[smem:$0x3FA8] =	sst s3  }
0xc: {  	[smem:$0x3FA9] =	sst s4  }
0xd: {  	[smem:$0x3FAA] =	sst s5  }
0xe: {  	[smem:$0x3FAB] =	sst s6  }
0xf: {  	[smem:$0x3FAC] =	sst s7  }
0x10: {  	[smem:$0x3FAD] =	sst s8  }
0x11: {  	[smem:$0x3FAE] =	sst s9;
	s0 =	simm.s32 @!p0 $0x0  }
0x12: {  	s1 =	sld [smem:$0x3F94];
	s0 =	simm.s32 @p0 $0x1  }
0x13: {  	[smem:$0x3FAF] =	sst s0;
	s0 =	simm.s32 @!p1 $0x0  }
0x14: {  	s2 =	sld [smem:$0x3F93];
	s0 =	simm.s32 @p1 $0x1  }
0x15: {  	[smem:$0x3FB0] =	sst s0;
	s0 =	simm.s32 @!p2 $0x0  }
0x16: {  	s3 =	sld [smem:$0x3FDB];
	s0 =	simm.s32 @p2 $0x1  }
0x17: {  	s4 =	simm.s32 $0x1BF5;
	[smem:$0x3FB2] =	sst s0  }
0x18: {  	s0 =	sld [smem:$0x3F95];
	_ =	swait.ge [sflag:s4], $0x0  }
0x19: {  	s7 =	sld [smem:$0x3F96]  }
0x1a: {  	s8 =	sadd.s32 $0xFFFFE003, lr  }
0x1b: {  	s9 =	sadd.s32 $0xFFFFFEF7, lr;
	s5 =	simm.s32 $0xFFFFFFFF;
	p2 =	slt.u32 s8, $0xFFFFF086  }
0x1c: {  	p1 =	slt.u32 s9, $0xF7A;
	s5 =	simm.s32 @!p2 $0x0  }
0x1d: {  	s5 =	simm.s32 @p1 $0x1;
	p0 =	seq.s32 s7, s2  }
0x1e: {  	s7 =	smul.u32 @!p0 $0xF7A, s2;
	p2 =	seq.s32 @!p0 s5, $0x0  }
0x1f: {  	s9 =	smul.u32 $0xF7A, s1;
	s8 =	simm.s32 @!p0 $0x1BF5;
	p2 =	por !p2, p0  }
0x20: {  	[sflag:s8] =	ssyncset.s32 @!p0 $0xFFFFF086;
	s6 =	sadd.s32 @!p0 s3, s7;
	s7 =	simm.s32 @!p0 $0x108  }
0x21: {  	s3 =	sadd.s32 s3, s9;
	s6 =	sadd.s32 @!p0 $0x88, s6;
	s7 =	simm.s32 @p2 $0x1082  }
0x22: {  	[simem:s7], [sflag:s8] =	dma.local @!p0 [hbm:s6], $0xF7A  }
0x23: {  	s9 =	sor.u32 $0xD0000000, s2;
	s6 =	simm.s32 $0x108;
	_ =	swait.ge @!p0 [sflag:s8], $0x0  }
0x24: {  	s3 =	sadd.s32 $0x88, s3;
	s6 =	simm.s32 @!p1 $0x1082;
	[sflag:s4] =	ssyncset.s32 $0xFFFFF086  }
0x25: {  	[simem:s6], [sflag:s4] =	dma.local [hbm:s3], $0xF7A  }
0x26: {  	[smem:$0x3F96] =	sst s1;
	(tag) =	ssettag s2;
	_ =	strace s9  }
0x27: {  	s1 =	sld [smem:$0x3FA6]  }
0x28: {  	s2 =	sld [smem:$0x3FA7]  }
0x29: {  	s4 =	sld [smem:$0x3FA9]  }
0x2a: {  	p0 =	seq.s32 s5, $0x0;
	s5 =	sld [smem:$0x3FAA]  }
0x2b: {  	s6 =	sld [smem:$0x3FAB]  }
0x2c: {  	s7 =	sld [smem:$0x3FAC]  }
0x2d: {  	s3 =	simm.s32 $0x108;
	s8 =	sld [smem:$0x3FAD]  }
0x2e: {  	s3 =	simm.s32 @!p0 $0x1082;
	s9 =	sld [smem:$0x3FAE]  }
0x2f: {  	lr =	sadd.s32 s0, s3;
	s0 =	sld [smem:$0x3FA5]  }
0x30: {  	s3 =	sld [smem:$0x3FA8]  }
0x31: {  	[smem:$0x3FB1] =	sst s10  }
0x32: {  	s10 =	sld [smem:$0x3FAF];
	_ =	sdelay $0x3  }
0x33: {  	p0 =	seq.s32 s10, $0x1;
	s10 =	sld [smem:$0x3FB1];
	_ =	sdelay $0x3  }
0x34: {  	[smem:$0x3FB1] =	sst s10  }
0x35: {  	s10 =	sld [smem:$0x3FB0];
	_ =	sdelay $0x3  }
0x36: {  	p1 =	seq.s32 s10, $0x1;
	s10 =	sld [smem:$0x3FB1];
	_ =	sdelay $0x3  }
0x37: {  	[smem:$0x3FB1] =	sst s10  }
0x38: {  	s10 =	sld [smem:$0x3FB2]  }
0x39: {  	_ = 	snop;
	(pc) =	sbr.ind lr, $3  }
0x3a: {  	_ = 	snop  }
0x3b: {  	_ = 	snop  }
0x3c: {  	p2 =	seq.s32 s10, $0x1;
	s10 =	sld [smem:$0x3FB1]  }
0x3d: {  	_ =	shalt  }
0x3e: {  	_ =	shalt  }
0x3f: {  	_ =	shalt  }
0x40: {  	_ =	shalt  }
0x41: {  	_ =	shalt  }
0x42: {  	_ =	shalt  }
0x43: {  	_ =	shalt  }
0x44: {  	_ =	shalt  }
0x45: {  	_ =	shalt  }
0x46: {  	_ =	shalt  }
0x47: {  	_ =	shalt  }
0x48: {  	_ =	shalt  }
0x49: {  	_ =	shalt  }
0x4a: {  	_ =	shalt  }
0x4b: {  	_ =	shalt  }
0x4c: {  	_ =	shalt  }
0x4d: {  	_ =	shalt  }
0x4e: {  	_ =	shalt  }
0x4f: {  	_ =	shalt  }
0x50: {  	_ =	shalt  }
0x51: {  	_ =	shalt  }
0x52: {  	_ =	shalt  }
0x53: {  	_ =	shalt  }
0x54: {  	_ =	shalt  }
0x55: {  	_ =	shalt  }
0x56: {  	_ =	shalt  }
0x57: {  	_ =	shalt  }
0x58: {  	_ =	shalt  }
0x59: {  	_ =	shalt  }
0x5a: {  	_ =	shalt  }
0x5b: {  	_ =	shalt  }
0x5c: {  	_ =	shalt  }
0x5d: {  	_ =	shalt  }
0x5e: {  	_ =	shalt  }
0x5f: {  	_ =	shalt  }
0x60: {  	_ =	shalt  }
0x61: {  	_ =	shalt  }
0x62: {  	_ =	shalt  }
0x63: {  	_ =	shalt  }
0x64: {  	_ =	shalt  }
0x65: {  	_ =	shalt  }
0x66: {  	_ =	shalt  }
0x67: {  	_ =	shalt  }
0x68: {  	_ =	shalt  }
0x69: {  	_ =	shalt  }
0x6a: {  	_ =	shalt  }
0x6b: {  	_ =	shalt  }
0x6c: {  	_ =	shalt  }
0x6d: {  	_ =	shalt  }
0x6e: {  	_ =	shalt  }
0x6f: {  	_ =	shalt  }
0x70: {  	_ =	shalt  }
0x71: {  	_ =	shalt  }
0x72: {  	_ =	shalt  }
0x73: {  	_ =	shalt  }
0x74: {  	_ =	shalt  }
0x75: {  	_ =	shalt  }
0x76: {  	_ =	shalt  }
0x77: {  	_ =	shalt  }
0x78: {  	_ =	shalt  }
0x79: {  	_ =	shalt  }
0x7a: {  	_ =	shalt  }
0x7b: {  	_ =	shalt  }
0x7c: {  	_ =	shalt  }
0x7d: {  	_ =	shalt  }
0x7e: {  	_ =	shalt  }
0x7f: {  	_ =	shalt  }
0x80: {  	_ =	shalt  }
0x81: {  	_ =	shalt  }
0x82: {  	_ =	shalt  }
0x83: {  	_ =	shalt  }
0x84: {  	_ =	shalt  }
0x85: {  	_ =	shalt  }
0x86: {  	_ =	shalt  }
0x87: {  	_ =	shalt  }
.Lfunc_end0:
.L_simem_size_0:
called_computation.1_lowered:
.L_overlay_start_0:
0x88: {  	s2 =	sld [smem:$0x3FD9]  }
0x89: {  	s3 =	sld [smem:$0x3FFE];
	_ =	sdelay $0x1  }
0x8a: {  	s1 =	srdreg.scid  }
0x8b: {  	s0 =	sand.u32 $0x1, s1  }
0x8c: {  	s16 =	sshll.u32 s0, $0xA;
	s2 =	sadd.s32 s3, s2  }
0x8d: {  	s2 =	sadd.s32 s2, s16  }
0x8e: {  	[smem:$0x3FBD] =	sst s2  }
0x8f: {  	_ = 	snop  }
0x90: {  	(tm) =	ssettm $0x1  }
0x91: {  	s17 =	sld [smem:$0x3FFB];
	_ =	sdelay $0x3  }
0x92: {  	_ =	strace s17  }
0x93: {  	s2 =	sld [smem:$0x3FFC];
	_ =	sdelay $0x3  }
0x94: {  	_ =	strace s2  }
0x95: {  	s2 =	sld [smem:$0x3FFD];
	_ =	sdelay $0x3  }
0x96: {  	_ =	strace s2  }
0x97: {  	_ =	strace $0x8FFFFFFF  }
0x98: {  	s18 =	sld [smem:$0x3FDB];
	_ =	sdelay $0x1  }
0x99: {  	s19 =	simm.s32 $_scs_section_size  }
0x9a: {  	s4 =	simm.s32 $_size__tile_overlayer_lowered;
	s5 =	simm.s32 $_tile_overlayer_lowered  }
0x9b: {  	s22 =	simm.s32 $0x1BFF;
	s21 =	sshll.u32 s5, $0x1;
	s2 =	sadd.s32 s19, s18  }
0x9c: {  	s6 =	simm.s32 $0x0;
	s20 =	sshll.u32 s4, $0x1;
	s4 =	sadd.s32 s21, s2  }
0x9d: {  	[timem:s6], [sflag:s22] =	dma.local [hbm:s4], s20  }
0x9e: {  	_ =	swait.ge [sflag:s22], s20  }
0x9f: {  	s3 =	ssub.s32 $0x0, s20;
	[sflag:s22] =	ssyncset.done $0x0  }
0xa0: {  	[sflag:s22] =	ssyncadd.s32 s3;
	_ =	sdelay $0x1  }
0xa1: {  	s23 =	simm.s32 $0x1B8B  }
0xa2: {  	_ =	swait.ge [sflag:s23], $0x1  }
0xa3: {  	[sflag:s23] =	ssyncset.done $0x0  }
0xa4: {  	s25 =	simm.s32 $0x1B8E;
	s24 =	sld [smem:$0x3FFE];
	[sflag:s23] =	ssyncadd.s32 $0xFFFFFFFF  }
0xa5: {  	s26 =	simm.s32 $execute0_lowered;
	[smem:$0x3FD2] =	sst s25  }
0xa6: {  	s4 =	sshll.u32 s26, $0x1;
	_ =	strace $0x80000049;
	[dreg:$0x1] =	wrdreg $0xFFFFFFFF  }
0xa7: {  	s28 =	simm.s32 $_size_execute0_lowered;
	s2 =	sadd.s32 s2, s4;
	[dreg:$0x0] =	wrdreg $0x0  }
0xa8: {  	s4 =	sshll.u32 s28, $0x1;
	[dreg:$0x2] =	wrdreg s2  }
0xa9: {  	[dreg:$0x3] =	wrdreg s4  }
0xaa: {  	[dreg:$0x4] =	wrdreg $0xC0  }
0xab: {  	_ =	task [dreg:s6], $0x5FFFF  }
0xac: {  	[dreg:$0x1] =	wrdreg $0xFFFFFFFF  }
0xad: {  	[dreg:$0x0] =	wrdreg $0x60  }
0xae: {  	[dreg:$0x2] =	wrdreg s24  }
0xaf: {  	[dreg:$0x3] =	wrdreg $0x90000  }
0xb0: {  	[dreg:$0x4] =	wrdreg $0x9  }
0xb1: {  	_ =	task.clear_ibuf [dreg:s6], $0x5FFFF;
	_ =	strace $0x90000049  }
0xb2: {  	s29 =	simm.s32 $0x9;
	_ =	strace $0x8000004B  }
0xb3: {  	_ =	swait.ge [sflag:s29], $0x1  }
0xb4: {  	[sflag:s29] =	ssyncadd.s32 $0xFFFFFFFF  }
0xb5: {  	_ =	strace $0x9000004B  }
0xb6: {  	_ =	sfence  }
0xb7: {  	s30 =	sld [smem:$0x0];
	_ =	sdelay $0x2  }
0xb8: {  	s31 =	sshll.u32 s1, $0xD;
	s1 =	sshrl.u32 s1, $0x2  }
0xb9: {  	s3 =	sand.u32 $0x4000, s31;
	s1 =	sadd.s32 s1, s30  }
0xba: {  	s0 =	sor.u32 s3, s0;
	s1 =	sshll.u32 s1, $0x11  }
0xbb: {  	s0 =	sor.u32 s1, s0  }
0xbc: {  	s0 =	sadd.s32 $0x8F2B, s0  }
0xbd: {  	[sflag:s0] =	ssyncadd.remote.s32 $0x1  }
0xbe: {  	_ =	sfence.sel $0xFFFF  }
0xbf: {  	[dreg:$0x0] =	wrdreg $0xFFFFFFFF;
	(pc) =	sbr.abs _section_cstart, $3  }
0xc0: {  	[dreg:$0x1] =	wrdreg $0xFFFFFFFF  }
0xc1: {  	_ =	task.clear_ibuf [dreg:s6], $0x2FFFF;
	_ =	strace $0x9FFFFFFF  }
0xc2: {  	(tm) =	ssettm $0x7FFFFFFF  }
0xc3: {  	_ =	shalt  }
tec
execute0_lowered:
.L_overlay_start_1:
0x0: {  	(tag) =	ssettag $0x1  }
0x1: {  	s5 =	rddreg [dreg:$0x0];
	s1 =	srdreg.scid  }
0x2: {  	s0 =	stileid.u32;
	s2 =	rddreg [dreg:$0x1]  }
0x3: {  	s3 =	simm.s32 $0x0;
	s14 =	simm.s32 $0x80;
	s4 =	smul.u32 $0x5000, s0  }
0x4: {  	s15 =	simm.s32 $0x5000;
	s16 =	simm.s32 $0x1;
	s9 =	smul.u32 $0x2780, s0  }
0x5: {  	s6 =	sand.u32 $0x1, s1;
	s1 =	rddreg [dreg:$0x2];
	s11 =	smul.u32 $0x4F000, s0  }
0x6: {  	s17 =	simm.s32 $0x0;
	[smem:$0x7FF] =	sst s3;
	s7 =	smul.u32 $0x2800, s6  }
0x7: {  	s12 =	sadd.s32 $0xD800, s5;
	s31 =	sshll.u32 s0, $0x6;
	s8 =	smul.u32 $0x50000, s6  }
0x8: {  	_ =	strace $0x8000004A;
	s10 =	smul.u32 $0x27800, s6;
	s13 =	ssub.s32 $0x2, s6  }
0x9: {  	p0 =	seq.s32 s6, $0x1;
	s30 =	sshrl.u32 s13, $0x1;
	s11 =	sshrl.u32 s11, $0x2  }
0xa: {  	s7 =	sadd.s32 s4, s7;
	s4 =	sadd.s32 $0x10000, s5;
	s10 =	sadd.s32 s9, s10  }
0xb: {  	s13 =	ssub.s32 s13, s30;
	s11 =	sadd.s32 s11, s2;
	s8 =	sadd.s32 s8, s7  }
0xc: {  	s7 =	sshrl.u32 s7, $0x3;
	s10 =	sadd.s32 s10, s5;
	s8 =	sshrl.u32 s8, $0x3  }
0xd: {  	s11 =	sshrl.u32 s11, $0x3;
	s7 =	sadd.s32 s7, s5;
	s8 =	sadd.s32 s8, s5  }
0xe: {  	s5 =	sadd.s32 s4, s9;
	s7 =	sadd.s32 $0x5F000, s7;
	s9 =	smax.u32 s13, $0x1  }
0xf: {  	s13 =	simm.s32 $0x2800;
	s6 =	sadd.s32 $0x69000, s8;
	s8 =	sadd.s32 $0x7D000, s10  }
0x10: {  	s5 =	smov.u32 @p0 s12;
	s10 =	sor.u32 $0x1C02, s31;
	s12 =	simm.s32 $0x2  }
.LBB2_1:
0x11: {  	[spmem:s11], [sflag:s10] =	dma.local [hbm:s5], $0x2780  }
0x12: {  	_ =	swait.ge [sflag:s12], $0x2780  }
0x13: {  	[sflag:s12] =	ssyncset.done $0x0  }
0x14: {  	[sflag:s12] =	ssyncadd.s32 $0xFFFFD880  }
0x15: {  	[tilespmem:s3], [sflag:$0x2] =	stream.linear.gather [hbm4b:s6+s3], $0x2780, $0x38;
	[tilespmem:$0x1CC00] =	vst v63  }
0x16: {  	_ =	swait.ge [sflag:s12], $0x2780  }
0x17: {  	[sflag:s12] =	ssyncset.done $0x0  }
0x18: {  	[sflag:s12] =	ssyncadd.s32 $0xFFFFD880  }
0x19: {  	[tilespmem:s13], [sflag:$0x2] =	stream.linear.gather [hbm4b:s7+s3], $0x2780, $0x38;
	[tilespmem:$0x1CC00] =	vst v63  }
0x1a: {  	_ =	swait.ge [sflag:s12], $0x2780  }
0x1b: {  	[sflag:s12] =	ssyncset.done $0x0  }
0x1c: {  	[sflag:s12] =	ssyncadd.s32 $0xFFFFD880  }
0x1d: {  	s18 =	simm.s32 $0x0;
	[bflag:$0x0] =	sbarrier.arrive $0xFFFF  }
0x1e: {  	[tilespmem:s15], [sflag:$0x1] =	stream.indirect.gather [hbm4b:s4+s14], $0x80, s18, s14, $0xb8;
	[tilespmem:$0x1CC00] =	vst v63  }
0x1f: {  	_ =	swait.ge [sflag:s16], $0x4000  }
0x20: {  	[sflag:s16] =	ssyncset.done $0x0  }
0x21: {  	s31 =	simm.s32 $0x2800;
	[sflag:s16] =	ssyncadd.s32 $0xFFFFC000  }
0x22: {  	[spmem:s2] =	stream.indirect.scatter.add.f32 [tilespmem:s15], [sflag:$0x2], $0x80, s31, s14, $0xb8;
	[tilespmem:$0x1CC00] =	vst v63  }
0x23: {  	_ =	swait.ge [sflag:s12], $0x4000  }
0x24: {  	s19 =	simm.s32 $0x400;
	s18 =	simm.s32 $0x200;
	[sflag:s12] =	ssyncset.done $0x0  }
.LBB2_2:
0x25: {  	s20 =	sshra.s32 s18, $0x2  }
0x26: {  	[sflag:s12] =	ssyncadd.s32 $0xFFFFC000;
	s18 =	smov.u32 s19;
	s21 =	sadd.s32 $0x200, s19  }
0x27: {  	[tilespmem:s15], [sflag:$0x1] =	stream.indirect.gather [hbm4b:s4+s14], $0x80, s20, s14, $0xb8;
	[tilespmem:$0x1CC00] =	vst v63  }
0x28: {  	p0 =	sne.s32 s19, $0x9C00;
	_ =	swait.ge [sflag:s16], $0x4000  }
.Ltmp0:
0x29: {  	[sflag:s16] =	ssyncset.done $0x0;
	(pc) =	sbr.rel @p0 .LBB2_2-.Ltmp0, $4  }
0x2a: {  	s19 =	sadd.s32 $0x2800, s20;
	[sflag:s16] =	ssyncadd.s32 $0xFFFFC000  }
0x2b: {  	[spmem:s2] =	stream.indirect.scatter.add.f32 [tilespmem:s15], [sflag:$0x2], $0x80, s19, s14, $0xb8;
	[tilespmem:$0x1CC00] =	vst v63  }
0x2c: {  	_ =	swait.ge [sflag:s12], $0x4000  }
0x2d: {  	s19 =	smov.u32 s21;
	[sflag:s12] =	ssyncset.done $0x0  }
0x2e: {  	s18 =	sshra.s32 s18, $0x2;
	[sflag:s12] =	ssyncadd.s32 $0xFFFFC000  }
0x2f: {  	[tilespmem:s15], [sflag:$0x1] =	stream.indirect.gather [hbm4b:s4+s14], $0x80, s18, s14, $0xb8;
	[tilespmem:$0x1CC00] =	vst v63  }
0x30: {  	_ =	swait.ge [sflag:s16], $0x4000  }
0x31: {  	[sflag:s16] =	ssyncset.done $0x0  }
0x32: {  	s18 =	sadd.s32 $0x2800, s18;
	[sflag:s16] =	ssyncadd.s32 $0xFFFFC000  }
0x33: {  	[spmem:s2] =	stream.indirect.scatter.add.f32 [tilespmem:s15], [sflag:$0x2], $0x80, s18, s14, $0xb8;
	[tilespmem:$0x1CC00] =	vst v63  }
0x34: {  	_ =	swait.ge [sflag:s12], $0x4000  }
0x35: {  	s17 =	sadd.s32 $0x1, s17;
	[sflag:s12] =	ssyncset.done $0x0  }
0x36: {  	p0 =	sne.s32 s17, s9;
	[sflag:s12] =	ssyncadd.s32 $0xFFFFC000  }
.Ltmp1:
0x37: {  	[bflag:$0x0] =	sbarrier.arrive $0xFFFF;
	(pc) =	sbr.rel @p0 .LBB2_1-.Ltmp1, $4  }
0x38: {  	[hbm:s8], [sflag:s10] =	dma.local [spmem:s11], $0x2780  }
0x39: {  	_ =	swait.ge [sflag:s12], $0x2780  }
0x3a: {  	[sflag:s12] =	ssyncset.done $0x0  }
0x3b: {  	[sflag:s12] =	ssyncadd.s32 $0xFFFFD880  }
0x3c: {  	_ =	sfence.sel $0x180000  }
0x3d: {  	[bflag:$0x0] =	sbarrier.arrive $0xFFFF  }
0x3e: {  	p0 =	sne.s32 s0, $0x0;
	_ =	strace $0x9000004A  }
0x3f: {  	s0 =	sadd.s32 @!p0 $0x100000, s1;
	[bflag:$0x2] =	sbarrier.arrive $0xFFFF  }
0x40: {  	[sflag:s0] =	ssyncadd.tile.s32 @!p0 $0x1;
	_ =	shalt  }
.Lfunc_end2:
_tile_overlayer_lowered:
.L_overlay_start_2:
0x41: {  	(tag) =	ssettag $0x2  }
0x42: {  	s0 =	rddreg [dreg:$0x0];
	s2 =	stileid.u32  }
0x43: {  	s1 =	rddreg [dreg:$0x1];
	p0 =	sne.s32 s2, $0x0  }
0x44: {  	s3 =	rddreg [dreg:$0x2];
	[bflag:$0x3] =	sbarrier.arrive $0xFFFF;
	s2 =	simm.s32 @!p0 $0x1C02  }
0x45: {  	[timem:s3], [sflag:s2] =	dma.local @!p0 [hbm:s0], s1  }
0x46: {  	s0 =	simm.s32 @!p0 $0x2  }
0x47: {  	_ =	swait.ge @!p0 [sflag:s0], s1  }
0x48: {  	s1 =	ssub.s32 @!p0 $0x0, s1;
	[sflag:s0] =	ssyncset.done @!p0 $0x0  }
0x49: {  	[sflag:s0] =	ssyncadd.s32 @!p0 s1  }
0x4a: {  	[bflag:$0x3] =	sbarrier.arrive $0xFFFF  }
0x4b: {  	_ =	shalt  }

// kernel: kernel.16.cloned.1.call-start
scs
__scs_entry_jumppad:
0x0: {  	(pc) =	sbr.rel $0x88, $3  }
0x1: {  	(tag) =	ssettag $0x0;
	lr =	simm.s32 $0x1  }
0x2: {  	[smem:$0x3F96] =	sst lr;
	_ =	strace $0xD0000000  }
0x3: {  	_ = 	snop  }
0x4: {  	_ = 	snop  }
0x5: {  	_ = 	snop  }
0x6: {  	_ = 	snop  }
0x7: {  	_ = 	snop  }
__scs_overlays_trampoline_lowered:
0x8: {  	[smem:$0x3FA5] =	sst s0  }
0x9: {  	[smem:$0x3FA6] =	sst s1  }
0xa: {  	[smem:$0x3FA7] =	sst s2  }
0xb: {  	[smem:$0x3FA8] =	sst s3  }
0xc: {  	[smem:$0x3FA9] =	sst s4  }
0xd: {  	[smem:$0x3FAA] =	sst s5  }
0xe: {  	[smem:$0x3FAB] =	sst s6  }
0xf: {  	[smem:$0x3FAC] =	sst s7  }
0x10: {  	[smem:$0x3FAD] =	sst s8  }
0x11: {  	[smem:$0x3FAE] =	sst s9;
	s0 =	simm.s32 @!p0 $0x0  }
0x12: {  	s1 =	sld [smem:$0x3F94];
	s0 =	simm.s32 @p0 $0x1  }
0x13: {  	[smem:$0x3FAF] =	sst s0;
	s0 =	simm.s32 @!p1 $0x0  }
0x14: {  	s2 =	sld [smem:$0x3F93];
	s0 =	simm.s32 @p1 $0x1  }
0x15: {  	[smem:$0x3FB0] =	sst s0;
	s0 =	simm.s32 @!p2 $0x0  }
0x16: {  	s3 =	sld [smem:$0x3FDB];
	s0 =	simm.s32 @p2 $0x1  }
0x17: {  	s4 =	simm.s32 $0x1BF5;
	[smem:$0x3FB2] =	sst s0  }
0x18: {  	s0 =	sld [smem:$0x3F95];
	_ =	swait.ge [sflag:s4], $0x0  }
0x19: {  	s7 =	sld [smem:$0x3F96]  }
0x1a: {  	s8 =	sadd.s32 $0xFFFFE003, lr  }
0x1b: {  	s9 =	sadd.s32 $0xFFFFFEF7, lr;
	s5 =	simm.s32 $0xFFFFFFFF;
	p2 =	slt.u32 s8, $0xFFFFF086  }
0x1c: {  	p1 =	slt.u32 s9, $0xF7A;
	s5 =	simm.s32 @!p2 $0x0  }
0x1d: {  	s5 =	simm.s32 @p1 $0x1;
	p0 =	seq.s32 s7, s2  }
0x1e: {  	s7 =	smul.u32 @!p0 $0xF7A, s2;
	p2 =	seq.s32 @!p0 s5, $0x0  }
0x1f: {  	s9 =	smul.u32 $0xF7A, s1;
	s8 =	simm.s32 @!p0 $0x1BF5;
	p2 =	por !p2, p0  }
0x20: {  	[sflag:s8] =	ssyncset.s32 @!p0 $0xFFFFF086;
	s6 =	sadd.s32 @!p0 s3, s7;
	s7 =	simm.s32 @!p0 $0x108  }
0x21: {  	s3 =	sadd.s32 s3, s9;
	s6 =	sadd.s32 @!p0 $0x88, s6;
	s7 =	simm.s32 @p2 $0x1082  }
0x22: {  	[simem:s7], [sflag:s8] =	dma.local @!p0 [hbm:s6], $0xF7A  }
0x23: {  	s9 =	sor.u32 $0xD0000000, s2;
	s6 =	simm.s32 $0x108;
	_ =	swait.ge @!p0 [sflag:s8], $0x0  }
0x24: {  	s3 =	sadd.s32 $0x88, s3;
	s6 =	simm.s32 @!p1 $0x1082;
	[sflag:s4] =	ssyncset.s32 $0xFFFFF086  }
0x25: {  	[simem:s6], [sflag:s4] =	dma.local [hbm:s3], $0xF7A  }
0x26: {  	[smem:$0x3F96] =	sst s1;
	(tag) =	ssettag s2;
	_ =	strace s9  }
0x27: {  	s1 =	sld [smem:$0x3FA6]  }
0x28: {  	s2 =	sld [smem:$0x3FA7]  }
0x29: {  	s4 =	sld [smem:$0x3FA9]  }
0x2a: {  	p0 =	seq.s32 s5, $0x0;
	s5 =	sld [smem:$0x3FAA]  }
0x2b: {  	s6 =	sld [smem:$0x3FAB]  }
0x2c: {  	s7 =	sld [smem:$0x3FAC]  }
0x2d: {  	s3 =	simm.s32 $0x108;
	s8 =	sld [smem:$0x3FAD]  }
0x2e: {  	s3 =	simm.s32 @!p0 $0x1082;
	s9 =	sld [smem:$0x3FAE]  }
0x2f: {  	lr =	sadd.s32 s0, s3;
	s0 =	sld [smem:$0x3FA5]  }
0x30: {  	s3 =	sld [smem:$0x3FA8]  }
0x31: {  	[smem:$0x3FB1] =	sst s10  }
0x32: {  	s10 =	sld [smem:$0x3FAF];
	_ =	sdelay $0x3  }
0x33: {  	p0 =	seq.s32 s10, $0x1;
	s10 =	sld [smem:$0x3FB1];
	_ =	sdelay $0x3  }
0x34: {  	[smem:$0x3FB1] =	sst s10  }
0x35: {  	s10 =	sld [smem:$0x3FB0];
	_ =	sdelay $0x3  }
0x36: {  	p1 =	seq.s32 s10, $0x1;
	s10 =	sld [smem:$0x3FB1];
	_ =	sdelay $0x3  }
0x37: {  	[smem:$0x3FB1] =	sst s10  }
0x38: {  	s10 =	sld [smem:$0x3FB2]  }
0x39: {  	_ = 	snop;
	(pc) =	sbr.ind lr, $3  }
0x3a: {  	_ = 	snop  }
0x3b: {  	_ = 	snop  }
0x3c: {  	p2 =	seq.s32 s10, $0x1;
	s10 =	sld [smem:$0x3FB1]  }
0x3d: {  	_ =	shalt  }
0x3e: {  	_ =	shalt  }
0x3f: {  	_ =	shalt  }
0x40: {  	_ =	shalt  }
0x41: {  	_ =	shalt  }
0x42: {  	_ =	shalt  }
0x43: {  	_ =	shalt  }
0x44: {  	_ =	shalt  }
0x45: {  	_ =	shalt  }
0x46: {  	_ =	shalt  }
0x47: {  	_ =	shalt  }
0x48: {  	_ =	shalt  }
0x49: {  	_ =	shalt  }
0x4a: {  	_ =	shalt  }
0x4b: {  	_ =	shalt  }
0x4c: {  	_ =	shalt  }
0x4d: {  	_ =	shalt  }
0x4e: {  	_ =	shalt  }
0x4f: {  	_ =	shalt  }
0x50: {  	_ =	shalt  }
0x51: {  	_ =	shalt  }
0x52: {  	_ =	shalt  }
0x53: {  	_ =	shalt  }
0x54: {  	_ =	shalt  }
0x55: {  	_ =	shalt  }
0x56: {  	_ =	shalt  }
0x57: {  	_ =	shalt  }
0x58: {  	_ =	shalt  }
0x59: {  	_ =	shalt  }
0x5a: {  	_ =	shalt  }
0x5b: {  	_ =	shalt  }
0x5c: {  	_ =	shalt  }
0x5d: {  	_ =	shalt  }
0x5e: {  	_ =	shalt  }
0x5f: {  	_ =	shalt  }
0x60: {  	_ =	shalt  }
0x61: {  	_ =	shalt  }
0x62: {  	_ =	shalt  }
0x63: {  	_ =	shalt  }
0x64: {  	_ =	shalt  }
0x65: {  	_ =	shalt  }
0x66: {  	_ =	shalt  }
0x67: {  	_ =	shalt  }
0x68: {  	_ =	shalt  }
0x69: {  	_ =	shalt  }
0x6a: {  	_ =	shalt  }
0x6b: {  	_ =	shalt  }
0x6c: {  	_ =	shalt  }
0x6d: {  	_ =	shalt  }
0x6e: {  	_ =	shalt  }
0x6f: {  	_ =	shalt  }
0x70: {  	_ =	shalt  }
0x71: {  	_ =	shalt  }
0x72: {  	_ =	shalt  }
0x73: {  	_ =	shalt  }
0x74: {  	_ =	shalt  }
0x75: {  	_ =	shalt  }
0x76: {  	_ =	shalt  }
0x77: {  	_ =	shalt  }
0x78: {  	_ =	shalt  }
0x79: {  	_ =	shalt  }
0x7a: {  	_ =	shalt  }
0x7b: {  	_ =	shalt  }
0x7c: {  	_ =	shalt  }
0x7d: {  	_ =	shalt  }
0x7e: {  	_ =	shalt  }
0x7f: {  	_ =	shalt  }
0x80: {  	_ =	shalt  }
0x81: {  	_ =	shalt  }
0x82: {  	_ =	shalt  }
0x83: {  	_ =	shalt  }
0x84: {  	_ =	shalt  }
0x85: {  	_ =	shalt  }
0x86: {  	_ =	shalt  }
0x87: {  	_ =	shalt  }
.Lfunc_end0:
.L_simem_size_0:
called_computation.2_lowered:
.L_overlay_start_0:
0x88: {  	s2 =	sld [smem:$0x3FD9]  }
0x89: {  	s3 =	sld [smem:$0x3FFE];
	_ =	sdelay $0x1  }
0x8a: {  	s1 =	srdreg.scid  }
0x8b: {  	s0 =	sand.u32 $0x1, s1  }
0x8c: {  	s16 =	sshll.u32 s0, $0xA;
	s2 =	sadd.s32 s3, s2  }
0x8d: {  	s2 =	sadd.s32 s2, s16  }
0x8e: {  	[smem:$0x3FBD] =	sst s2  }
0x8f: {  	_ = 	snop  }
0x90: {  	(tm) =	ssettm $0x1  }
0x91: {  	s17 =	sld [smem:$0x3FFB];
	_ =	sdelay $0x3  }
0x92: {  	_ =	strace s17  }
0x93: {  	s2 =	sld [smem:$0x3FFC];
	_ =	sdelay $0x3  }
0x94: {  	_ =	strace s2  }
0x95: {  	s2 =	sld [smem:$0x3FFD];
	_ =	sdelay $0x3  }
0x96: {  	_ =	strace s2  }
0x97: {  	_ =	strace $0x8FFFFFFF  }
0x98: {  	s18 =	sld [smem:$0x3FDB];
	_ =	sdelay $0x1  }
0x99: {  	s19 =	simm.s32 $_scs_section_size  }
0x9a: {  	s4 =	simm.s32 $_size__tile_overlayer_lowered;
	s5 =	simm.s32 $_tile_overlayer_lowered  }
0x9b: {  	s22 =	simm.s32 $0x1BFF;
	s21 =	sshll.u32 s5, $0x1;
	s2 =	sadd.s32 s19, s18  }
0x9c: {  	s6 =	simm.s32 $0x0;
	s20 =	sshll.u32 s4, $0x1;
	s4 =	sadd.s32 s21, s2  }
0x9d: {  	[timem:s6], [sflag:s22] =	dma.local [hbm:s4], s20  }
0x9e: {  	_ =	swait.ge [sflag:s22], s20  }
0x9f: {  	s3 =	ssub.s32 $0x0, s20;
	[sflag:s22] =	ssyncset.done $0x0  }
0xa0: {  	[sflag:s22] =	ssyncadd.s32 s3;
	_ =	sdelay $0x1  }
0xa1: {  	s23 =	simm.s32 $0x1B8B  }
0xa2: {  	_ =	swait.ge [sflag:s23], $0x1  }
0xa3: {  	[sflag:s23] =	ssyncset.done $0x0  }
0xa4: {  	s25 =	simm.s32 $0x1B8E;
	s24 =	sld [smem:$0x3FFE];
	[sflag:s23] =	ssyncadd.s32 $0xFFFFFFFF  }
0xa5: {  	s26 =	simm.s32 $execute0_lowered;
	[smem:$0x3FD2] =	sst s25  }
0xa6: {  	s4 =	sshll.u32 s26, $0x1;
	_ =	strace $0x8000004C;
	[dreg:$0x1] =	wrdreg $0xFFFFFFFF  }
0xa7: {  	s28 =	simm.s32 $_size_execute0_lowered;
	s2 =	sadd.s32 s2, s4;
	[dreg:$0x0] =	wrdreg $0x0  }
0xa8: {  	s4 =	sshll.u32 s28, $0x1;
	[dreg:$0x2] =	wrdreg s2  }
0xa9: {  	[dreg:$0x3] =	wrdreg s4  }
0xaa: {  	[dreg:$0x4] =	wrdreg $0xC0  }
0xab: {  	_ =	task [dreg:s6], $0x5FFFF  }
0xac: {  	[dreg:$0x1] =	wrdreg $0xFFFFFFFF  }
0xad: {  	[dreg:$0x0] =	wrdreg $0x60  }
0xae: {  	[dreg:$0x2] =	wrdreg s24  }
0xaf: {  	[dreg:$0x3] =	wrdreg $0x90000  }
0xb0: {  	[dreg:$0x4] =	wrdreg $0x9  }
0xb1: {  	_ =	task.clear_ibuf [dreg:s6], $0x5FFFF;
	_ =	strace $0x9000004C  }
0xb2: {  	s29 =	simm.s32 $0x9;
	_ =	strace $0x8000004E  }
0xb3: {  	_ =	swait.ge [sflag:s29], $0x1  }
0xb4: {  	[sflag:s29] =	ssyncadd.s32 $0xFFFFFFFF  }
0xb5: {  	_ =	strace $0x9000004E  }
0xb6: {  	_ =	sfence  }
0xb7: {  	s30 =	sld [smem:$0x0];
	_ =	sdelay $0x2  }
0xb8: {  	s31 =	sshll.u32 s1, $0xD;
	s1 =	sshrl.u32 s1, $0x2  }
0xb9: {  	s3 =	sand.u32 $0x4000, s31;
	s1 =	sadd.s32 s1, s30  }
0xba: {  	s0 =	sor.u32 s3, s0;
	s1 =	sshll.u32 s1, $0x11  }
0xbb: {  	s0 =	sor.u32 s1, s0  }
0xbc: {  	s0 =	sadd.s32 $0x8F2B, s0  }
0xbd: {  	[sflag:s0] =	ssyncadd.remote.s32 $0x1  }
0xbe: {  	_ =	sfence.sel $0xFFFF  }
0xbf: {  	[dreg:$0x0] =	wrdreg $0xFFFFFFFF;
	(pc) =	sbr.abs _section_cstart, $3  }
0xc0: {  	[dreg:$0x1] =	wrdreg $0xFFFFFFFF  }
0xc1: {  	_ =	task.clear_ibuf [dreg:s6], $0x2FFFF;
	_ =	strace $0x9FFFFFFF  }
0xc2: {  	(tm) =	ssettm $0x7FFFFFFF  }
0xc3: {  	_ =	shalt  }
tec
execute0_lowered:
.L_overlay_start_1:
0x0: {  	(tag) =	ssettag $0x1  }
0x1: {  	s5 =	rddreg [dreg:$0x0]  }
0x2: {  	s2 =	rddreg [dreg:$0x1]  }
0x3: {  	s0 =	srdreg.scid;
	s1 =	rddreg [dreg:$0x2];
	s3 =	simm.s32 $0x0  }
0x4: {  	s14 =	simm.s32 $0x2;
	s15 =	simm.s32 $0x2800;
	s6 =	sand.u32 $0x1, s0  }
0x5: {  	s16 =	simm.s32 $0x80;
	s0 =	stileid.u32;
	s4 =	smul.u32 $0x50000, s6  }
0x6: {  	s17 =	simm.s32 $0x5000;
	s18 =	simm.s32 $0x1;
	s7 =	smul.u32 $0x5000, s0  }
0x7: {  	s19 =	simm.s32 $0x0;
	[smem:$0x7FF] =	sst s3;
	s8 =	smul.u32 $0x2780, s6  }
0x8: {  	s10 =	smul.u32 $0x278, s0;
	_ =	strace $0x8000004D;
	s6 =	ssub.s32 $0x2, s6  }
0x9: {  	s26 =	smul.u32 $0x4F000, s0;
	s31 =	sshll.u32 s0, $0x6;
	s29 =	sshrl.u32 s6, $0x1  }
0xa: {  	s4 =	sadd.s32 s4, s7;
	s7 =	sshrl.u32 s7, $0x3;
	s8 =	sadd.s32 s10, s8  }
0xb: {  	s30 =	ssub.s32 s6, s29;
	s6 =	sor.u32 $0x1C02, s31;
	s9 =	sshrl.u32 s4, $0x3  }
0xc: {  	s4 =	sadd.s32 $0x3000, s5;
	s12 =	sadd.s32 s7, s5;
	s28 =	sshll.u32 s8, $0x4  }
0xd: {  	s11 =	sadd.s32 s9, s5;
	s8 =	sadd.s32 s28, s5;
	s9 =	sshrl.u32 s26, $0x2  }
0xe: {  	s5 =	sadd.s32 s4, s28;
	s10 =	sadd.s32 $0x5F000, s12;
	s12 =	sadd.s32 $0x5F500, s12  }
0xf: {  	s13 =	sadd.s32 s9, s2;
	s7 =	sadd.s32 $0x7D000, s8;
	s8 =	smax.u32 s30, $0x1  }
0x10: {  	s9 =	sadd.s32 $0x69000, s11;
	s11 =	sadd.s32 $0x69500, s11;
	s13 =	sshrl.u32 s13, $0x3  }
.LBB2_1:
0x11: {  	[spmem:s13], [sflag:s6] =	dma.local [hbm:s5], $0x2780  }
0x12: {  	_ =	swait.ge [sflag:s14], $0x2780  }
0x13: {  	[sflag:s14] =	ssyncset.done $0x0  }
0x14: {  	[sflag:s14] =	ssyncadd.s32 $0xFFFFD880  }
0x15: {  	[bflag:$0x0] =	sbarrier.arrive $0xFFFF  }
0x16: {  	[tilespmem:s3], [sflag:$0x2] =	stream.linear.gather [hbm4b:s9+s3], $0x2780, $0x38;
	[tilespmem:$0x1CC00] =	vst v63  }
0x17: {  	_ =	swait.ge [sflag:s14], $0x2780  }
0x18: {  	[sflag:s14] =	ssyncset.done $0x0  }
0x19: {  	[sflag:s14] =	ssyncadd.s32 $0xFFFFD880  }
0x1a: {  	[tilespmem:s15], [sflag:$0x2] =	stream.linear.gather [hbm4b:s10+s3], $0x2780, $0x38;
	[tilespmem:$0x1CC00] =	vst v63  }
0x1b: {  	_ =	swait.ge [sflag:s14], $0x2780  }
0x1c: {  	[sflag:s14] =	ssyncset.done $0x0  }
0x1d: {  	s20 =	simm.s32 $0x0;
	[sflag:s14] =	ssyncadd.s32 $0xFFFFD880  }
0x1e: {  	[tilespmem:s17], [sflag:$0x1] =	stream.indirect.gather [hbm4b:s4+s16], $0x80, s20, s16, $0xb8;
	[tilespmem:$0x1CC00] =	vst v63  }
0x1f: {  	_ =	swait.ge [sflag:s18], $0x4000  }
0x20: {  	[sflag:s18] =	ssyncset.done $0x0  }
0x21: {  	s31 =	simm.s32 $0x2800;
	[sflag:s18] =	ssyncadd.s32 $0xFFFFC000  }
0x22: {  	[spmem:s2] =	stream.indirect.scatter.add.f32 [tilespmem:s17], [sflag:$0x2], $0x80, s31, s16, $0xb8;
	[tilespmem:$0x1CC00] =	vst v63  }
0x23: {  	_ =	swait.ge [sflag:s14], $0x4000  }
0x24: {  	s21 =	simm.s32 $0x400;
	s20 =	simm.s32 $0x200;
	[sflag:s14] =	ssyncset.done $0x0  }
.LBB2_2:
0x25: {  	s22 =	sshra.s32 s20, $0x2  }
0x26: {  	[sflag:s14] =	ssyncadd.s32 $0xFFFFC000;
	s20 =	smov.u32 s21;
	s23 =	sadd.s32 $0x200, s21  }
0x27: {  	[tilespmem:s17], [sflag:$0x1] =	stream.indirect.gather [hbm4b:s4+s16], $0x80, s22, s16, $0xb8;
	[tilespmem:$0x1CC00] =	vst v63  }
0x28: {  	p0 =	sne.s32 s21, $0x9C00;
	_ =	swait.ge [sflag:s18], $0x4000  }
.Ltmp0:
0x29: {  	[sflag:s18] =	ssyncset.done $0x0;
	(pc) =	sbr.rel @p0 .LBB2_2-.Ltmp0, $4  }
0x2a: {  	s21 =	sadd.s32 $0x2800, s22;
	[sflag:s18] =	ssyncadd.s32 $0xFFFFC000  }
0x2b: {  	[spmem:s2] =	stream.indirect.scatter.add.f32 [tilespmem:s17], [sflag:$0x2], $0x80, s21, s16, $0xb8;
	[tilespmem:$0x1CC00] =	vst v63  }
0x2c: {  	_ =	swait.ge [sflag:s14], $0x4000  }
0x2d: {  	s21 =	smov.u32 s23;
	[sflag:s14] =	ssyncset.done $0x0  }
0x2e: {  	s20 =	sshra.s32 s20, $0x2;
	[sflag:s14] =	ssyncadd.s32 $0xFFFFC000  }
0x2f: {  	[tilespmem:s17], [sflag:$0x1] =	stream.indirect.gather [hbm4b:s4+s16], $0x80, s20, s16, $0xb8;
	[tilespmem:$0x1CC00] =	vst v63  }
0x30: {  	_ =	swait.ge [sflag:s18], $0x4000  }
0x31: {  	[sflag:s18] =	ssyncset.done $0x0  }
0x32: {  	s20 =	sadd.s32 $0x2800, s20;
	[sflag:s18] =	ssyncadd.s32 $0xFFFFC000  }
0x33: {  	[spmem:s2] =	stream.indirect.scatter.add.f32 [tilespmem:s17], [sflag:$0x2], $0x80, s20, s16, $0xb8;
	[tilespmem:$0x1CC00] =	vst v63  }
0x34: {  	_ =	swait.ge [sflag:s14], $0x4000  }
0x35: {  	[sflag:s14] =	ssyncset.done $0x0  }
0x36: {  	s29 =	simm.s32 $0x0;
	[sflag:s14] =	ssyncadd.s32 $0xFFFFC000  }
0x37: {  	[tilespmem:s29], [sflag:$0x2] =	stream.linear.gather [hbm4b:s11+s29], $0x2780, $0x38;
	[tilespmem:$0x1CC00] =	vst v63  }
0x38: {  	_ =	swait.ge [sflag:s14], $0x2780  }
0x39: {  	[sflag:s14] =	ssyncset.done $0x0  }
0x3a: {  	[sflag:s14] =	ssyncadd.s32 $0xFFFFD880  }
0x3b: {  	[tilespmem:s15], [sflag:$0x2] =	stream.linear.gather [hbm4b:s12+s29], $0x2780, $0x38;
	[tilespmem:$0x1CC00] =	vst v63  }
0x3c: {  	_ =	swait.ge [sflag:s14], $0x2780  }
0x3d: {  	[sflag:s14] =	ssyncset.done $0x0  }
0x3e: {  	s30 =	simm.s32 $0x0;
	[sflag:s14] =	ssyncadd.s32 $0xFFFFD880  }
0x3f: {  	[tilespmem:s17], [sflag:$0x1] =	stream.indirect.gather [hbm4b:s4+s16], $0x80, s30, s16, $0xb8;
	[tilespmem:$0x1CC00] =	vst v63  }
0x40: {  	_ =	swait.ge [sflag:s18], $0x4000  }
0x41: {  	[sflag:s18] =	ssyncset.done $0x0  }
0x42: {  	s31 =	simm.s32 $0x2800;
	[sflag:s18] =	ssyncadd.s32 $0xFFFFC000  }
0x43: {  	[spmem:s2] =	stream.indirect.scatter.add.f32 [tilespmem:s17], [sflag:$0x2], $0x80, s31, s16, $0xb8;
	[tilespmem:$0x1CC00] =	vst v63  }
0x44: {  	_ =	swait.ge [sflag:s14], $0x4000  }
0x45: {  	s21 =	simm.s32 $0x400;
	s20 =	simm.s32 $0x200;
	[sflag:s14] =	ssyncset.done $0x0  }
.LBB2_4:
0x46: {  	s22 =	sshra.s32 s20, $0x2  }
0x47: {  	[sflag:s14] =	ssyncadd.s32 $0xFFFFC000;
	s20 =	smov.u32 s21;
	s23 =	sadd.s32 $0x200, s21  }
0x48: {  	[tilespmem:s17], [sflag:$0x1] =	stream.indirect.gather [hbm4b:s4+s16], $0x80, s22, s16, $0xb8;
	[tilespmem:$0x1CC00] =	vst v63  }
0x49: {  	p0 =	sne.s32 s21, $0x9C00;
	_ =	swait.ge [sflag:s18], $0x4000  }
.Ltmp1:
0x4a: {  	[sflag:s18] =	ssyncset.done $0x0;
	(pc) =	sbr.rel @p0 .LBB2_4-.Ltmp1, $4  }
0x4b: {  	s21 =	sadd.s32 $0x2800, s22;
	[sflag:s18] =	ssyncadd.s32 $0xFFFFC000  }
0x4c: {  	[spmem:s2] =	stream.indirect.scatter.add.f32 [tilespmem:s17], [sflag:$0x2], $0x80, s21, s16, $0xb8;
	[tilespmem:$0x1CC00] =	vst v63  }
0x4d: {  	_ =	swait.ge [sflag:s14], $0x4000  }
0x4e: {  	s21 =	smov.u32 s23;
	[sflag:s14] =	ssyncset.done $0x0  }
0x4f: {  	s20 =	sshra.s32 s20, $0x2;
	[sflag:s14] =	ssyncadd.s32 $0xFFFFC000  }
0x50: {  	[tilespmem:s17], [sflag:$0x1] =	stream.indirect.gather [hbm4b:s4+s16], $0x80, s20, s16, $0xb8;
	[tilespmem:$0x1CC00] =	vst v63  }
0x51: {  	_ =	swait.ge [sflag:s18], $0x4000  }
0x52: {  	[sflag:s18] =	ssyncset.done $0x0  }
0x53: {  	s20 =	sadd.s32 $0x2800, s20;
	[sflag:s18] =	ssyncadd.s32 $0xFFFFC000  }
0x54: {  	[spmem:s2] =	stream.indirect.scatter.add.f32 [tilespmem:s17], [sflag:$0x2], $0x80, s20, s16, $0xb8;
	[tilespmem:$0x1CC00] =	vst v63  }
0x55: {  	_ =	swait.ge [sflag:s14], $0x4000  }
0x56: {  	s19 =	sadd.s32 $0x1, s19;
	[sflag:s14] =	ssyncset.done $0x0  }
0x57: {  	p0 =	sne.s32 s19, s8;
	[sflag:s14] =	ssyncadd.s32 $0xFFFFC000  }
.Ltmp2:
0x58: {  	[bflag:$0x0] =	sbarrier.arrive $0xFFFF;
	(pc) =	sbr.rel @p0 .LBB2_1-.Ltmp2, $4  }
0x59: {  	[hbm:s7], [sflag:s6] =	dma.local [spmem:s13], $0x2780  }
0x5a: {  	_ =	swait.ge [sflag:s14], $0x2780  }
0x5b: {  	[sflag:s14] =	ssyncset.done $0x0  }
0x5c: {  	[sflag:s14] =	ssyncadd.s32 $0xFFFFD880  }
0x5d: {  	_ =	sfence.sel $0x180000  }
0x5e: {  	[bflag:$0x0] =	sbarrier.arrive $0xFFFF  }
0x5f: {  	p0 =	sne.s32 s0, $0x0;
	_ =	strace $0x9000004D  }
0x60: {  	s0 =	sadd.s32 @!p0 $0x100000, s1;
	[bflag:$0x2] =	sbarrier.arrive $0xFFFF  }
0x61: {  	[sflag:s0] =	ssyncadd.tile.s32 @!p0 $0x1;
	_ =	shalt  }
.Lfunc_end2:
_tile_overlayer_lowered:
.L_overlay_start_2:
0x62: {  	(tag) =	ssettag $0x2  }
0x63: {  	s0 =	rddreg [dreg:$0x0];
	s2 =	stileid.u32  }
0x64: {  	s1 =	rddreg [dreg:$0x1];
	p0 =	sne.s32 s2, $0x0  }
0x65: {  	s3 =	rddreg [dreg:$0x2];
	[bflag:$0x3] =	sbarrier.arrive $0xFFFF;
	s2 =	simm.s32 @!p0 $0x1C02  }
0x66: {  	[timem:s3], [sflag:s2] =	dma.local @!p0 [hbm:s0], s1  }
0x67: {  	s0 =	simm.s32 @!p0 $0x2  }
0x68: {  	_ =	swait.ge @!p0 [sflag:s0], s1  }
0x69: {  	s1 =	ssub.s32 @!p0 $0x0, s1;
	[sflag:s0] =	ssyncset.done @!p0 $0x0  }
0x6a: {  	[sflag:s0] =	ssyncadd.s32 @!p0 s1  }
0x6b: {  	[bflag:$0x3] =	sbarrier.arrive $0xFFFF  }
0x6c: {  	_ =	shalt  }

// kernel: kernel.19.cloned.1.call-start
scs
__scs_entry_jumppad:
0x0: {  	(pc) =	sbr.rel $0x88, $3  }
0x1: {  	(tag) =	ssettag $0x0;
	lr =	simm.s32 $0x1  }
0x2: {  	[smem:$0x3F96] =	sst lr;
	_ =	strace $0xD0000000  }
0x3: {  	_ = 	snop  }
0x4: {  	_ = 	snop  }
0x5: {  	_ = 	snop  }
0x6: {  	_ = 	snop  }
0x7: {  	_ = 	snop  }
__scs_overlays_trampoline_lowered:
0x8: {  	[smem:$0x3FA5] =	sst s0  }
0x9: {  	[smem:$0x3FA6] =	sst s1  }
0xa: {  	[smem:$0x3FA7] =	sst s2  }
0xb: {  	[smem:$0x3FA8] =	sst s3  }
0xc: {  	[smem:$0x3FA9] =	sst s4  }
0xd: {  	[smem:$0x3FAA] =	sst s5  }
0xe: {  	[smem:$0x3FAB] =	sst s6  }
0xf: {  	[smem:$0x3FAC] =	sst s7  }
0x10: {  	[smem:$0x3FAD] =	sst s8  }
0x11: {  	[smem:$0x3FAE] =	sst s9;
	s0 =	simm.s32 @!p0 $0x0  }
0x12: {  	s1 =	sld [smem:$0x3F94];
	s0 =	simm.s32 @p0 $0x1  }
0x13: {  	[smem:$0x3FAF] =	sst s0;
	s0 =	simm.s32 @!p1 $0x0  }
0x14: {  	s2 =	sld [smem:$0x3F93];
	s0 =	simm.s32 @p1 $0x1  }
0x15: {  	[smem:$0x3FB0] =	sst s0;
	s0 =	simm.s32 @!p2 $0x0  }
0x16: {  	s3 =	sld [smem:$0x3FDB];
	s0 =	simm.s32 @p2 $0x1  }
0x17: {  	s4 =	simm.s32 $0x1BF5;
	[smem:$0x3FB2] =	sst s0  }
0x18: {  	s0 =	sld [smem:$0x3F95];
	_ =	swait.ge [sflag:s4], $0x0  }
0x19: {  	s7 =	sld [smem:$0x3F96]  }
0x1a: {  	s8 =	sadd.s32 $0xFFFFE003, lr  }
0x1b: {  	s9 =	sadd.s32 $0xFFFFFEF7, lr;
	s5 =	simm.s32 $0xFFFFFFFF;
	p2 =	slt.u32 s8, $0xFFFFF086  }
0x1c: {  	p1 =	slt.u32 s9, $0xF7A;
	s5 =	simm.s32 @!p2 $0x0  }
0x1d: {  	s5 =	simm.s32 @p1 $0x1;
	p0 =	seq.s32 s7, s2  }
0x1e: {  	s7 =	smul.u32 @!p0 $0xF7A, s2;
	p2 =	seq.s32 @!p0 s5, $0x0  }
0x1f: {  	s9 =	smul.u32 $0xF7A, s1;
	s8 =	simm.s32 @!p0 $0x1BF5;
	p2 =	por !p2, p0  }
0x20: {  	[sflag:s8] =	ssyncset.s32 @!p0 $0xFFFFF086;
	s6 =	sadd.s32 @!p0 s3, s7;
	s7 =	simm.s32 @!p0 $0x108  }
0x21: {  	s3 =	sadd.s32 s3, s9;
	s6 =	sadd.s32 @!p0 $0x88, s6;
	s7 =	simm.s32 @p2 $0x1082  }
0x22: {  	[simem:s7], [sflag:s8] =	dma.local @!p0 [hbm:s6], $0xF7A  }
0x23: {  	s9 =	sor.u32 $0xD0000000, s2;
	s6 =	simm.s32 $0x108;
	_ =	swait.ge @!p0 [sflag:s8], $0x0  }
0x24: {  	s3 =	sadd.s32 $0x88, s3;
	s6 =	simm.s32 @!p1 $0x1082;
	[sflag:s4] =	ssyncset.s32 $0xFFFFF086  }
0x25: {  	[simem:s6], [sflag:s4] =	dma.local [hbm:s3], $0xF7A  }
0x26: {  	[smem:$0x3F96] =	sst s1;
	(tag) =	ssettag s2;
	_ =	strace s9  }
0x27: {  	s1 =	sld [smem:$0x3FA6]  }
0x28: {  	s2 =	sld [smem:$0x3FA7]  }
0x29: {  	s4 =	sld [smem:$0x3FA9]  }
0x2a: {  	p0 =	seq.s32 s5, $0x0;
	s5 =	sld [smem:$0x3FAA]  }
0x2b: {  	s6 =	sld [smem:$0x3FAB]  }
0x2c: {  	s7 =	sld [smem:$0x3FAC]  }
0x2d: {  	s3 =	simm.s32 $0x108;
	s8 =	sld [smem:$0x3FAD]  }
0x2e: {  	s3 =	simm.s32 @!p0 $0x1082;
	s9 =	sld [smem:$0x3FAE]  }
0x2f: {  	lr =	sadd.s32 s0, s3;
	s0 =	sld [smem:$0x3FA5]  }
0x30: {  	s3 =	sld [smem:$0x3FA8]  }
0x31: {  	[smem:$0x3FB1] =	sst s10  }
0x32: {  	s10 =	sld [smem:$0x3FAF];
	_ =	sdelay $0x3  }
0x33: {  	p0 =	seq.s32 s10, $0x1;
	s10 =	sld [smem:$0x3FB1];
	_ =	sdelay $0x3  }
0x34: {  	[smem:$0x3FB1] =	sst s10  }
0x35: {  	s10 =	sld [smem:$0x3FB0];
	_ =	sdelay $0x3  }
0x36: {  	p1 =	seq.s32 s10, $0x1;
	s10 =	sld [smem:$0x3FB1];
	_ =	sdelay $0x3  }
0x37: {  	[smem:$0x3FB1] =	sst s10  }
0x38: {  	s10 =	sld [smem:$0x3FB2]  }
0x39: {  	_ = 	snop;
	(pc) =	sbr.ind lr, $3  }
0x3a: {  	_ = 	snop  }
0x3b: {  	_ = 	snop  }
0x3c: {  	p2 =	seq.s32 s10, $0x1;
	s10 =	sld [smem:$0x3FB1]  }
0x3d: {  	_ =	shalt  }
0x3e: {  	_ =	shalt  }
0x3f: {  	_ =	shalt  }
0x40: {  	_ =	shalt  }
0x41: {  	_ =	shalt  }
0x42: {  	_ =	shalt  }
0x43: {  	_ =	shalt  }
0x44: {  	_ =	shalt  }
0x45: {  	_ =	shalt  }
0x46: {  	_ =	shalt  }
0x47: {  	_ =	shalt  }
0x48: {  	_ =	shalt  }
0x49: {  	_ =	shalt  }
0x4a: {  	_ =	shalt  }
0x4b: {  	_ =	shalt  }
0x4c: {  	_ =	shalt  }
0x4d: {  	_ =	shalt  }
0x4e: {  	_ =	shalt  }
0x4f: {  	_ =	shalt  }
0x50: {  	_ =	shalt  }
0x51: {  	_ =	shalt  }
0x52: {  	_ =	shalt  }
0x53: {  	_ =	shalt  }
0x54: {  	_ =	shalt  }
0x55: {  	_ =	shalt  }
0x56: {  	_ =	shalt  }
0x57: {  	_ =	shalt  }
0x58: {  	_ =	shalt  }
0x59: {  	_ =	shalt  }
0x5a: {  	_ =	shalt  }
0x5b: {  	_ =	shalt  }
0x5c: {  	_ =	shalt  }
0x5d: {  	_ =	shalt  }
0x5e: {  	_ =	shalt  }
0x5f: {  	_ =	shalt  }
0x60: {  	_ =	shalt  }
0x61: {  	_ =	shalt  }
0x62: {  	_ =	shalt  }
0x63: {  	_ =	shalt  }
0x64: {  	_ =	shalt  }
0x65: {  	_ =	shalt  }
0x66: {  	_ =	shalt  }
0x67: {  	_ =	shalt  }
0x68: {  	_ =	shalt  }
0x69: {  	_ =	shalt  }
0x6a: {  	_ =	shalt  }
0x6b: {  	_ =	shalt  }
0x6c: {  	_ =	shalt  }
0x6d: {  	_ =	shalt  }
0x6e: {  	_ =	shalt  }
0x6f: {  	_ =	shalt  }
0x70: {  	_ =	shalt  }
0x71: {  	_ =	shalt  }
0x72: {  	_ =	shalt  }
0x73: {  	_ =	shalt  }
0x74: {  	_ =	shalt  }
0x75: {  	_ =	shalt  }
0x76: {  	_ =	shalt  }
0x77: {  	_ =	shalt  }
0x78: {  	_ =	shalt  }
0x79: {  	_ =	shalt  }
0x7a: {  	_ =	shalt  }
0x7b: {  	_ =	shalt  }
0x7c: {  	_ =	shalt  }
0x7d: {  	_ =	shalt  }
0x7e: {  	_ =	shalt  }
0x7f: {  	_ =	shalt  }
0x80: {  	_ =	shalt  }
0x81: {  	_ =	shalt  }
0x82: {  	_ =	shalt  }
0x83: {  	_ =	shalt  }
0x84: {  	_ =	shalt  }
0x85: {  	_ =	shalt  }
0x86: {  	_ =	shalt  }
0x87: {  	_ =	shalt  }
.Lfunc_end0:
.L_simem_size_0:
called_computation.3_lowered:
.L_overlay_start_0:
0x88: {  	s2 =	sld [smem:$0x3FD9]  }
0x89: {  	s3 =	sld [smem:$0x3FFE];
	_ =	sdelay $0x1  }
0x8a: {  	s1 =	srdreg.scid  }
0x8b: {  	s0 =	sand.u32 $0x1, s1  }
0x8c: {  	s16 =	sshll.u32 s0, $0xA;
	s2 =	sadd.s32 s3, s2  }
0x8d: {  	s2 =	sadd.s32 s2, s16  }
0x8e: {  	[smem:$0x3FBD] =	sst s2  }
0x8f: {  	_ = 	snop  }
0x90: {  	(tm) =	ssettm $0x1  }
0x91: {  	s17 =	sld [smem:$0x3FFB];
	_ =	sdelay $0x3  }
0x92: {  	_ =	strace s17  }
0x93: {  	s2 =	sld [smem:$0x3FFC];
	_ =	sdelay $0x3  }
0x94: {  	_ =	strace s2  }
0x95: {  	s2 =	sld [smem:$0x3FFD];
	_ =	sdelay $0x3  }
0x96: {  	_ =	strace s2  }
0x97: {  	_ =	strace $0x8FFFFFFF  }
0x98: {  	s18 =	sld [smem:$0x3FDB];
	_ =	sdelay $0x1  }
0x99: {  	s19 =	simm.s32 $_scs_section_size  }
0x9a: {  	s4 =	simm.s32 $_size__tile_overlayer_lowered;
	s5 =	simm.s32 $_tile_overlayer_lowered  }
0x9b: {  	s22 =	simm.s32 $0x1BFF;
	s21 =	sshll.u32 s5, $0x1;
	s2 =	sadd.s32 s19, s18  }
0x9c: {  	s6 =	simm.s32 $0x0;
	s20 =	sshll.u32 s4, $0x1;
	s4 =	sadd.s32 s21, s2  }
0x9d: {  	[timem:s6], [sflag:s22] =	dma.local [hbm:s4], s20  }
0x9e: {  	_ =	swait.ge [sflag:s22], s20  }
0x9f: {  	s3 =	ssub.s32 $0x0, s20;
	[sflag:s22] =	ssyncset.done $0x0  }
0xa0: {  	[sflag:s22] =	ssyncadd.s32 s3;
	_ =	sdelay $0x1  }
0xa1: {  	s23 =	simm.s32 $0x1B8B  }
0xa2: {  	_ =	swait.ge [sflag:s23], $0x1  }
0xa3: {  	[sflag:s23] =	ssyncset.done $0x0  }
0xa4: {  	s25 =	simm.s32 $0x1B8E;
	s24 =	sld [smem:$0x3FFE];
	[sflag:s23] =	ssyncadd.s32 $0xFFFFFFFF  }
0xa5: {  	s26 =	simm.s32 $execute0_lowered;
	[smem:$0x3FD2] =	sst s25  }
0xa6: {  	s4 =	sshll.u32 s26, $0x1;
	_ =	strace $0x8000004F;
	[dreg:$0x1] =	wrdreg $0xFFFFFFFF  }
0xa7: {  	s28 =	simm.s32 $_size_execute0_lowered;
	s2 =	sadd.s32 s2, s4;
	[dreg:$0x0] =	wrdreg $0x0  }
0xa8: {  	s4 =	sshll.u32 s28, $0x1;
	[dreg:$0x2] =	wrdreg s2  }
0xa9: {  	[dreg:$0x3] =	wrdreg s4  }
0xaa: {  	[dreg:$0x4] =	wrdreg $0xC0  }
0xab: {  	_ =	task [dreg:s6], $0x5FFFF  }
0xac: {  	[dreg:$0x1] =	wrdreg $0xFFFFFFFF  }
0xad: {  	[dreg:$0x0] =	wrdreg $0x60  }
0xae: {  	[dreg:$0x2] =	wrdreg s24  }
0xaf: {  	[dreg:$0x3] =	wrdreg $0x90000  }
0xb0: {  	[dreg:$0x4] =	wrdreg $0x9  }
0xb1: {  	_ =	task.clear_ibuf [dreg:s6], $0x5FFFF;
	_ =	strace $0x9000004F  }
0xb2: {  	s29 =	simm.s32 $0x9;
	_ =	strace $0x80000051  }
0xb3: {  	_ =	swait.ge [sflag:s29], $0x1  }
0xb4: {  	[sflag:s29] =	ssyncadd.s32 $0xFFFFFFFF  }
0xb5: {  	_ =	strace $0x90000051  }
0xb6: {  	_ =	sfence  }
0xb7: {  	s30 =	sld [smem:$0x0];
	_ =	sdelay $0x2  }
0xb8: {  	s31 =	sshll.u32 s1, $0xD;
	s1 =	sshrl.u32 s1, $0x2  }
0xb9: {  	s3 =	sand.u32 $0x4000, s31;
	s1 =	sadd.s32 s1, s30  }
0xba: {  	s0 =	sor.u32 s3, s0;
	s1 =	sshll.u32 s1, $0x11  }
0xbb: {  	s0 =	sor.u32 s1, s0  }
0xbc: {  	s0 =	sadd.s32 $0x8F2B, s0  }
0xbd: {  	[sflag:s0] =	ssyncadd.remote.s32 $0x1  }
0xbe: {  	_ =	sfence.sel $0xFFFF  }
0xbf: {  	[dreg:$0x0] =	wrdreg $0xFFFFFFFF;
	(pc) =	sbr.abs _section_cstart, $3  }
0xc0: {  	[dreg:$0x1] =	wrdreg $0xFFFFFFFF  }
0xc1: {  	_ =	task.clear_ibuf [dreg:s6], $0x2FFFF;
	_ =	strace $0x9FFFFFFF  }
0xc2: {  	(tm) =	ssettm $0x7FFFFFFF  }
0xc3: {  	_ =	shalt  }
tec
execute0_lowered:
.L_overlay_start_1:
0x0: {  	(tag) =	ssettag $0x1  }
0x1: {  	s5 =	rddreg [dreg:$0x0]  }
0x2: {  	s2 =	rddreg [dreg:$0x1]  }
0x3: {  	s0 =	srdreg.scid;
	s1 =	rddreg [dreg:$0x2];
	s3 =	simm.s32 $0x0  }
0x4: {  	s14 =	simm.s32 $0x2;
	s15 =	simm.s32 $0x2800;
	s6 =	sand.u32 $0x1, s0  }
0x5: {  	s16 =	simm.s32 $0x80;
	s0 =	stileid.u32;
	s4 =	smul.u32 $0x50000, s6  }
0x6: {  	s17 =	simm.s32 $0x5000;
	s18 =	simm.s32 $0x1;
	s7 =	smul.u32 $0x5000, s0  }
0x7: {  	s19 =	simm.s32 $0x0;
	[smem:$0x7FF] =	sst s3;
	s8 =	smul.u32 $0x2780, s6  }
0x8: {  	s10 =	smul.u32 $0x278, s0;
	_ =	strace $0x80000050;
	s6 =	ssub.s32 $0x2, s6  }
0x9: {  	s26 =	smul.u32 $0x4F000, s0;
	s31 =	sshll.u32 s0, $0x6;
	s29 =	sshrl.u32 s6, $0x1  }
0xa: {  	s4 =	sadd.s32 s4, s7;
	s7 =	sshrl.u32 s7, $0x3;
	s8 =	sadd.s32 s10, s8  }
0xb: {  	s30 =	ssub.s32 s6, s29;
	s6 =	sor.u32 $0x1C02, s31;
	s9 =	sshrl.u32 s4, $0x3  }
0xc: {  	s4 =	sadd.s32 $0x3000, s5;
	s12 =	sadd.s32 s7, s5;
	s28 =	sshll.u32 s8, $0x4  }
0xd: {  	s11 =	sadd.s32 s9, s5;
	s8 =	sadd.s32 s28, s5;
	s9 =	sshrl.u32 s26, $0x2  }
0xe: {  	s5 =	sadd.s32 s4, s28;
	s10 =	sadd.s32 $0x5F000, s12;
	s12 =	sadd.s32 $0x5F500, s12  }
0xf: {  	s13 =	sadd.s32 s9, s2;
	s7 =	sadd.s32 $0x7D000, s8;
	s8 =	smax.u32 s30, $0x1  }
0x10: {  	s9 =	sadd.s32 $0x69000, s11;
	s11 =	sadd.s32 $0x69500, s11;
	s13 =	sshrl.u32 s13, $0x3  }
.LBB2_1:
0x11: {  	[spmem:s13], [sflag:s6] =	dma.local [hbm:s5], $0x2780  }
0x12: {  	_ =	swait.ge [sflag:s14], $0x2780  }
0x13: {  	[sflag:s14] =	ssyncset.done $0x0  }
0x14: {  	[sflag:s14] =	ssyncadd.s32 $0xFFFFD880  }
0x15: {  	[bflag:$0x0] =	sbarrier.arrive $0xFFFF  }
0x16: {  	[tilespmem:s3], [sflag:$0x2] =	stream.linear.gather [hbm4b:s9+s3], $0x2780, $0x38;
	[tilespmem:$0x1CC00] =	vst v63  }
0x17: {  	_ =	swait.ge [sflag:s14], $0x2780  }
0x18: {  	[sflag:s14] =	ssyncset.done $0x0  }
0x19: {  	[sflag:s14] =	ssyncadd.s32 $0xFFFFD880  }
0x1a: {  	[tilespmem:s15], [sflag:$0x2] =	stream.linear.gather [hbm4b:s10+s3], $0x2780, $0x38;
	[tilespmem:$0x1CC00] =	vst v63  }
0x1b: {  	_ =	swait.ge [sflag:s14], $0x2780  }
0x1c: {  	[sflag:s14] =	ssyncset.done $0x0  }
0x1d: {  	s20 =	simm.s32 $0x0;
	[sflag:s14] =	ssyncadd.s32 $0xFFFFD880  }
0x1e: {  	[tilespmem:s17], [sflag:$0x1] =	stream.indirect.gather [hbm4b:s4+s16], $0x80, s20, s16, $0xb8;
	[tilespmem:$0x1CC00] =	vst v63  }
0x1f: {  	_ =	swait.ge [sflag:s18], $0x4000  }
0x20: {  	[sflag:s18] =	ssyncset.done $0x0  }
0x21: {  	s31 =	simm.s32 $0x2800;
	[sflag:s18] =	ssyncadd.s32 $0xFFFFC000  }
0x22: {  	[spmem:s2] =	stream.indirect.scatter.add.f32 [tilespmem:s17], [sflag:$0x2], $0x80, s31, s16, $0xb8;
	[tilespmem:$0x1CC00] =	vst v63  }
0x23: {  	_ =	swait.ge [sflag:s14], $0x4000  }
0x24: {  	s21 =	simm.s32 $0x400;
	s20 =	simm.s32 $0x200;
	[sflag:s14] =	ssyncset.done $0x0  }
.LBB2_2:
0x25: {  	s22 =	sshra.s32 s20, $0x2  }
0x26: {  	[sflag:s14] =	ssyncadd.s32 $0xFFFFC000;
	s20 =	smov.u32 s21;
	s23 =	sadd.s32 $0x200, s21  }
0x27: {  	[tilespmem:s17], [sflag:$0x1] =	stream.indirect.gather [hbm4b:s4+s16], $0x80, s22, s16, $0xb8;
	[tilespmem:$0x1CC00] =	vst v63  }
0x28: {  	p0 =	sne.s32 s21, $0x9C00;
	_ =	swait.ge [sflag:s18], $0x4000  }
.Ltmp0:
0x29: {  	[sflag:s18] =	ssyncset.done $0x0;
	(pc) =	sbr.rel @p0 .LBB2_2-.Ltmp0, $4  }
0x2a: {  	s21 =	sadd.s32 $0x2800, s22;
	[sflag:s18] =	ssyncadd.s32 $0xFFFFC000  }
0x2b: {  	[spmem:s2] =	stream.indirect.scatter.add.f32 [tilespmem:s17], [sflag:$0x2], $0x80, s21, s16, $0xb8;
	[tilespmem:$0x1CC00] =	vst v63  }
0x2c: {  	_ =	swait.ge [sflag:s14], $0x4000  }
0x2d: {  	s21 =	smov.u32 s23;
	[sflag:s14] =	ssyncset.done $0x0  }
0x2e: {  	s20 =	sshra.s32 s20, $0x2;
	[sflag:s14] =	ssyncadd.s32 $0xFFFFC000  }
0x2f: {  	[tilespmem:s17], [sflag:$0x1] =	stream.indirect.gather [hbm4b:s4+s16], $0x80, s20, s16, $0xb8;
	[tilespmem:$0x1CC00] =	vst v63  }
0x30: {  	_ =	swait.ge [sflag:s18], $0x4000  }
0x31: {  	[sflag:s18] =	ssyncset.done $0x0  }
0x32: {  	s20 =	sadd.s32 $0x2800, s20;
	[sflag:s18] =	ssyncadd.s32 $0xFFFFC000  }
0x33: {  	[spmem:s2] =	stream.indirect.scatter.add.f32 [tilespmem:s17], [sflag:$0x2], $0x80, s20, s16, $0xb8;
	[tilespmem:$0x1CC00] =	vst v63  }
0x34: {  	_ =	swait.ge [sflag:s14], $0x4000  }
0x35: {  	[sflag:s14] =	ssyncset.done $0x0  }
0x36: {  	s29 =	simm.s32 $0x0;
	[sflag:s14] =	ssyncadd.s32 $0xFFFFC000  }
0x37: {  	[tilespmem:s29], [sflag:$0x2] =	stream.linear.gather [hbm4b:s11+s29], $0x2780, $0x38;
	[tilespmem:$0x1CC00] =	vst v63  }
0x38: {  	_ =	swait.ge [sflag:s14], $0x2780  }
0x39: {  	[sflag:s14] =	ssyncset.done $0x0  }
0x3a: {  	[sflag:s14] =	ssyncadd.s32 $0xFFFFD880  }
0x3b: {  	[tilespmem:s15], [sflag:$0x2] =	stream.linear.gather [hbm4b:s12+s29], $0x2780, $0x38;
	[tilespmem:$0x1CC00] =	vst v63  }
0x3c: {  	_ =	swait.ge [sflag:s14], $0x2780  }
0x3d: {  	[sflag:s14] =	ssyncset.done $0x0  }
0x3e: {  	s30 =	simm.s32 $0x0;
	[sflag:s14] =	ssyncadd.s32 $0xFFFFD880  }
0x3f: {  	[tilespmem:s17], [sflag:$0x1] =	stream.indirect.gather [hbm4b:s4+s16], $0x80, s30, s16, $0xb8;
	[tilespmem:$0x1CC00] =	vst v63  }
0x40: {  	_ =	swait.ge [sflag:s18], $0x4000  }
0x41: {  	[sflag:s18] =	ssyncset.done $0x0  }
0x42: {  	s31 =	simm.s32 $0x2800;
	[sflag:s18] =	ssyncadd.s32 $0xFFFFC000  }
0x43: {  	[spmem:s2] =	stream.indirect.scatter.add.f32 [tilespmem:s17], [sflag:$0x2], $0x80, s31, s16, $0xb8;
	[tilespmem:$0x1CC00] =	vst v63  }
0x44: {  	_ =	swait.ge [sflag:s14], $0x4000  }
0x45: {  	s21 =	simm.s32 $0x400;
	s20 =	simm.s32 $0x200;
	[sflag:s14] =	ssyncset.done $0x0  }
.LBB2_4:
0x46: {  	s22 =	sshra.s32 s20, $0x2  }
0x47: {  	[sflag:s14] =	ssyncadd.s32 $0xFFFFC000;
	s20 =	smov.u32 s21;
	s23 =	sadd.s32 $0x200, s21  }
0x48: {  	[tilespmem:s17], [sflag:$0x1] =	stream.indirect.gather [hbm4b:s4+s16], $0x80, s22, s16, $0xb8;
	[tilespmem:$0x1CC00] =	vst v63  }
0x49: {  	p0 =	sne.s32 s21, $0x9C00;
	_ =	swait.ge [sflag:s18], $0x4000  }
.Ltmp1:
0x4a: {  	[sflag:s18] =	ssyncset.done $0x0;
	(pc) =	sbr.rel @p0 .LBB2_4-.Ltmp1, $4  }
0x4b: {  	s21 =	sadd.s32 $0x2800, s22;
	[sflag:s18] =	ssyncadd.s32 $0xFFFFC000  }
0x4c: {  	[spmem:s2] =	stream.indirect.scatter.add.f32 [tilespmem:s17], [sflag:$0x2], $0x80, s21, s16, $0xb8;
	[tilespmem:$0x1CC00] =	vst v63  }
0x4d: {  	_ =	swait.ge [sflag:s14], $0x4000  }
0x4e: {  	s21 =	smov.u32 s23;
	[sflag:s14] =	ssyncset.done $0x0  }
0x4f: {  	s20 =	sshra.s32 s20, $0x2;
	[sflag:s14] =	ssyncadd.s32 $0xFFFFC000  }
0x50: {  	[tilespmem:s17], [sflag:$0x1] =	stream.indirect.gather [hbm4b:s4+s16], $0x80, s20, s16, $0xb8;
	[tilespmem:$0x1CC00] =	vst v63  }
0x51: {  	_ =	swait.ge [sflag:s18], $0x4000  }
0x52: {  	[sflag:s18] =	ssyncset.done $0x0  }
0x53: {  	s20 =	sadd.s32 $0x2800, s20;
	[sflag:s18] =	ssyncadd.s32 $0xFFFFC000  }
0x54: {  	[spmem:s2] =	stream.indirect.scatter.add.f32 [tilespmem:s17], [sflag:$0x2], $0x80, s20, s16, $0xb8;
	[tilespmem:$0x1CC00] =	vst v63  }
0x55: {  	_ =	swait.ge [sflag:s14], $0x4000  }
0x56: {  	s19 =	sadd.s32 $0x1, s19;
	[sflag:s14] =	ssyncset.done $0x0  }
0x57: {  	p0 =	sne.s32 s19, s8;
	[sflag:s14] =	ssyncadd.s32 $0xFFFFC000  }
.Ltmp2:
0x58: {  	[bflag:$0x0] =	sbarrier.arrive $0xFFFF;
	(pc) =	sbr.rel @p0 .LBB2_1-.Ltmp2, $4  }
0x59: {  	[hbm:s7], [sflag:s6] =	dma.local [spmem:s13], $0x2780  }
0x5a: {  	_ =	swait.ge [sflag:s14], $0x2780  }
0x5b: {  	[sflag:s14] =	ssyncset.done $0x0  }
0x5c: {  	[sflag:s14] =	ssyncadd.s32 $0xFFFFD880  }
0x5d: {  	_ =	sfence.sel $0x180000  }
0x5e: {  	[bflag:$0x0] =	sbarrier.arrive $0xFFFF  }
0x5f: {  	p0 =	sne.s32 s0, $0x0;
	_ =	strace $0x90000050  }
0x60: {  	s0 =	sadd.s32 @!p0 $0x100000, s1;
	[bflag:$0x2] =	sbarrier.arrive $0xFFFF  }
0x61: {  	[sflag:s0] =	ssyncadd.tile.s32 @!p0 $0x1;
	_ =	shalt  }
.Lfunc_end2:
_tile_overlayer_lowered:
.L_overlay_start_2:
0x62: {  	(tag) =	ssettag $0x2  }
0x63: {  	s0 =	rddreg [dreg:$0x0];
	s2 =	stileid.u32  }
0x64: {  	s1 =	rddreg [dreg:$0x1];
	p0 =	sne.s32 s2, $0x0  }
0x65: {  	s3 =	rddreg [dreg:$0x2];
	[bflag:$0x3] =	sbarrier.arrive $0xFFFF;
	s2 =	simm.s32 @!p0 $0x1C02  }
0x66: {  	[timem:s3], [sflag:s2] =	dma.local @!p0 [hbm:s0], s1  }
0x67: {  	s0 =	simm.s32 @!p0 $0x2  }
0x68: {  	_ =	swait.ge @!p0 [sflag:s0], s1  }
0x69: {  	s1 =	ssub.s32 @!p0 $0x0, s1;
	[sflag:s0] =	ssyncset.done @!p0 $0x0  }
0x6a: {  	[sflag:s0] =	ssyncadd.s32 @!p0 s1  }
0x6b: {  	[bflag:$0x3] =	sbarrier.arrive $0xFFFF  }
0x6c: {  	_ =	shalt  }

</sc_bundles>
